<compile_context>
chip_gen: v7x
topology: tpu7x:2x2x1
jax: 0.10.2.dev20260603
libtpu: 0.0.44.dev20260713+nightly
codegen_flags: <defaults>
</compile_context>

<pallas_src>
import functools

import jax
import jax.numpy as jnp
from jax import lax
from jax.experimental import pallas as pl
from jax.experimental.pallas import tpu as pltpu
from jax.experimental.pallas import tpu_sc as plsc

N_NODES = 10000
N_EDGES = 320000
D = 128
G = 64

NC, NS, L = 2, 16, 16
NW = NC * NS
NPAD = 10240
NPT = NPAD // NW
EPT = N_EDGES // NW
GC = 80
GD = 80

_mesh = plsc.VectorSubcoreMesh(core_axis_name="c", subcore_axis_name="s")


def _wid():
    return lax.axis_index("s") * NC + lax.axis_index("c")


def _split_body(ei_ref, src_ref, dst_ref):
    ei = ei_ref[...]
    src_ref[...] = ei[0]
    dst_ref[...] = ei[1]


def _split(edge_index):
    return pl.pallas_call(
        _split_body,
        out_shape=[jax.ShapeDtypeStruct((N_EDGES,), jnp.int32),
                   jax.ShapeDtypeStruct((N_EDGES,), jnp.int32)],
    )(edge_index)


HALF = NPAD // NC
EPS = N_EDGES // NS


@functools.partial(
    pl.kernel,
    out_type=jax.ShapeDtypeStruct((NPAD, D), jnp.float32),
    mesh=_mesh,
    compiler_params=pltpu.CompilerParams(needs_layout_passes=False),
    scratch_types=[
        pltpu.VMEM((EPS,), jnp.int32),
        pltpu.VMEM((HALF,), jnp.int32),
        pltpu.VMEM((NS * NPT,), jnp.int32),
        pltpu.VMEM((NPT,), jnp.int32),
        pltpu.VMEM((NPT, D), jnp.float32),
        pltpu.VMEM((EPS,), jnp.int32),
        pltpu.VMEM_SHARED((NS * HALF,), jnp.int32),
        pltpu.VMEM_SHARED((N_EDGES,), jnp.int32),
        pltpu.SemaphoreType.DMA,
        pltpu.SemaphoreType.DMA,
    ],
)
def _winners_gather(dst_hbm, src_hbm, x_hbm, xs_hbm, dst_v, win_v, tabs_v,
                    sidx_v, xrows_v, src_v, sh_v, src_sh, sem_a, sem_b):
    cid = lax.axis_index("c")
    sid = lax.axis_index("s")
    lo = cid * HALF
    base_e = sid * EPS
    pltpu.async_copy(src_hbm.at[pl.ds(base_e, EPS)], src_v, sem_b)
    pltpu.sync_copy(dst_hbm.at[pl.ds(base_e, EPS)], dst_v)

    lane = lax.iota(jnp.int32, L)
    neg1 = jnp.full((L,), -1, jnp.int32)

    def init_body(i, _):
        win_v[pl.ds(i * L, L)] = neg1
        return 0

    lax.fori_loop(0, HALF // L, init_body, 0)

    def body(c, _):
        d16 = dst_v[pl.ds(c * L, L)]
        ld = d16 - lo
        valid = (ld >= 0) & (ld < HALF)
        ldc = jnp.minimum(jnp.maximum(ld, 0), HALF - 1)
        e16 = base_e + c * L + lane
        plsc.store_scatter(win_v, [ldc], e16, mask=valid)
        return 0

    lax.fori_loop(0, EPS // L, body, 0)
    pltpu.sync_copy(win_v, sh_v.at[pl.ds(sid * HALF, HALF)])
    pltpu.make_async_copy(src_hbm.at[pl.ds(0, EPS)], src_v, sem_b).wait()
    pltpu.sync_copy(src_v, src_sh.at[pl.ds(base_e, EPS)])
    plsc.subcore_barrier()

    for t in range(NS):
        pltpu.async_copy(sh_v.at[pl.ds(t * HALF + sid * NPT, NPT)],
                         tabs_v.at[pl.ds(t * NPT, NPT)], sem_a)
    for t in range(NS):
        pltpu.make_async_copy(sh_v.at[pl.ds(sid * NPT, NPT)],
                              tabs_v.at[pl.ds(0, NPT)], sem_a).wait()

    def merge_body(i, _):
        m = tabs_v[pl.ds(i * L, L)]
        for t in range(1, NS):
            m = jnp.maximum(m, tabs_v[pl.ds(t * NPT + i * L, L)])
        tabs_v[pl.ds(i * L, L)] = jnp.maximum(m, 0)
        tabs_v[pl.ds(NPT + i * L, L)] = (m >> 31)
        return 0

    lax.fori_loop(0, NPT // L, merge_body, 0)

    for c in range(NPT // GC):
        pltpu.async_copy(src_sh.at[tabs_v.at[pl.ds(c * GC, GC)]],
                         sidx_v.at[pl.ds(c * GC, GC)], sem_a)
    for c in range(NPT // GC):
        pltpu.make_async_copy(src_sh.at[tabs_v.at[pl.ds(0, GC)]],
                              sidx_v.at[pl.ds(0, GC)], sem_a).wait()

    def fix_body(i, _):
        miss = tabs_v[pl.ds(NPT + i * L, L)]
        s16 = sidx_v[pl.ds(i * L, L)]
        own = lo + sid * NPT + i * L + lane
        sidx_v[pl.ds(i * L, L)] = jnp.where(miss != 0, own, s16)
        return 0

    lax.fori_loop(0, NPT // L, fix_body, 0)

    for c in range(NPT // GC):
        pltpu.async_copy(x_hbm.at[sidx_v.at[pl.ds(c * GC, GC)]],
                         xrows_v.at[pl.ds(c * GC, GC)], sem_b)
    for c in range(NPT // GC):
        pltpu.make_async_copy(x_hbm.at[sidx_v.at[pl.ds(0, GC)]],
                              xrows_v.at[pl.ds(0, GC)], sem_b).wait()
    pltpu.sync_copy(xrows_v, xs_hbm.at[pl.ds(lo + sid * NPT, NPT)])


def _dense_body(x_ref, xs_ref, wq, bq, wk, bk, wv, bv, wr, br, gma, bta, ws,
                bs, wsc, out_ref):
    xs = xs_ref[...]
    xx = x_ref[...]
    q = jnp.dot(xs, wq[...], preferred_element_type=jnp.float32) + bq[...]
    k = jnp.dot(xx, wk[...], preferred_element_type=jnp.float32) + bk[...]
    v = jnp.dot(xx, wv[...], preferred_element_type=jnp.float32) + bv[...]
    scores = (q * k) * (1.0 / 8.0)
    scores = scores - jnp.max(scores, axis=-1, keepdims=True)
    ex = jnp.exp(scores)
    attn = ex / jnp.sum(ex, axis=-1, keepdims=True)
    attn_out = attn * v
    mu = jnp.mean(attn_out, axis=-1, keepdims=True)
    ctr = attn_out - mu
    var = jnp.mean(ctr * ctr, axis=-1, keepdims=True)
    xn = ctr * lax.rsqrt(var + 1e-5) * gma[...] + bta[...]
    h = attn_out + jnp.maximum(
        jnp.dot(xn, wr[...], preferred_element_type=jnp.float32) + br[...], 0.0)
    gate = jnp.dot(h, ws[...], preferred_element_type=jnp.float32) + bs[...] \
        + attn_out
    out_ref[...] = xs - xx + jnp.dot(gate, wsc[...],
                                     preferred_element_type=jnp.float32)


def _dense(x_pad, xs, hp, w_scale):
    blk = 2560
    grid = NPAD // blk

    def row_spec(dim):
        return pl.BlockSpec((blk, dim), lambda i: (i, 0))

    def full_spec(a):
        return pl.BlockSpec(a.shape, lambda i: (0,) * a.ndim)

    weights = [hp['Wq'], hp['bq'].reshape(1, G), hp['Wk'], hp['bk'].reshape(1, G),
               hp['Wv'], hp['bv'].reshape(1, G), hp['res'][0]['W'],
               hp['res'][0]['b'].reshape(1, G), hp['res'][0]['gamma'].reshape(1, G),
               hp['res'][0]['beta'].reshape(1, G), hp['Ws'],
               hp['bs'].reshape(1, G), w_scale]
    return pl.pallas_call(
        _dense_body,
        out_shape=jax.ShapeDtypeStruct((NPAD, D), jnp.float32),
        grid=(grid,),
        in_specs=[row_spec(D), row_spec(D)] + [full_spec(w) for w in weights],
        out_specs=row_spec(D),
    )(x_pad, xs, *weights)


@functools.partial(
    pl.kernel,
    out_type=jax.ShapeDtypeStruct((N_EDGES, D), jnp.float32),
    mesh=_mesh,
    scratch_types=[
        pltpu.VMEM((EPT,), jnp.int32),
        pltpu.VMEM((GD, D), jnp.float32),
        pltpu.VMEM((GD, D), jnp.float32),
        pltpu.VMEM_SHARED((NPAD, D), jnp.float32),
        pltpu.SemaphoreType.DMA,
        pltpu.SemaphoreType.DMA,
        pltpu.SemaphoreType.DMA,
        pltpu.SemaphoreType.DMA,
        pltpu.SemaphoreType.DMA,
    ],
)
def _edge_gather(h_hbm, dst_hbm, out_hbm, dst_v, rows_a, rows_b, h_sh,
                 sem_l, sem_ga, sem_gb, sem_sa, sem_sb):
    wid = _wid()
    sid = lax.axis_index("s")
    base_e = wid * EPT
    rows_per_sub = NPAD // NS
    pltpu.async_copy(dst_hbm.at[pl.ds(base_e, EPT)], dst_v, sem_l)
    pltpu.sync_copy(h_hbm.at[pl.ds(sid * rows_per_sub, rows_per_sub)],
                    h_sh.at[pl.ds(sid * rows_per_sub, rows_per_sub)])
    pltpu.make_async_copy(dst_hbm.at[pl.ds(base_e, EPT)], dst_v, sem_l).wait()
    plsc.subcore_barrier()

    def g_start(c, buf, sem):
        pltpu.async_copy(h_sh.at[dst_v.at[pl.ds(c * GD, GD)]], buf, sem)

    def g_wait(buf, sem):
        pltpu.make_async_copy(h_sh.at[dst_v.at[pl.ds(0, GD)]], buf, sem).wait()

    def s_start(c, buf, sem):
        pltpu.async_copy(buf, out_hbm.at[pl.ds(base_e + c * GD, GD)], sem)

    def s_wait(buf, sem):
        pltpu.make_async_copy(buf, out_hbm.at[pl.ds(base_e, GD)], sem).wait()

    g_start(0, rows_a, sem_ga)

    def body(i, _):
        c = 2 * i

        @pl.when(i > 0)
        def _():
            s_wait(rows_b, sem_sb)

        g_start(c + 1, rows_b, sem_gb)
        g_wait(rows_a, sem_ga)
        s_start(c, rows_a, sem_sa)
        s_wait(rows_a, sem_sa)
        g_start(c + 2, rows_a, sem_ga)
        g_wait(rows_b, sem_gb)
        s_start(c + 1, rows_b, sem_sb)
        return 0

    n_pairs = (EPT // GD) // 2
    lax.fori_loop(0, n_pairs, body, 0)
    s_wait(rows_b, sem_sb)
    g_wait(rows_a, sem_ga)
    s_start(EPT // GD - 1, rows_a, sem_sa)
    s_wait(rows_a, sem_sa)


def kernel(x, edge_index, params):
    src, dst = _split(edge_index)
    hp = params['heads'][0]
    x_pad = jnp.concatenate(
        [x, jnp.zeros((NPAD - N_NODES, D), jnp.float32)], axis=0)

    xs = _winners_gather(dst, src, x_pad)
    h_node = _dense(x_pad, xs, hp, params['W_scale'])
    return _edge_gather(h_node, dst)

# --- scband reference (transcript-rebuilt; emitter-appended) ---
"""Pipeline reference for scband-tree-hop-model-72610717106537 (READ-ONLY COPY).

The authoritative reference and input builder live on the scoring server;
editing this copy changes nothing except your own understanding.
"""

import jax, jax.numpy as jnp
import numpy as np

X_SIZE = 128
G_SIZE = 64
MLP_SIZE = 64
N_HEAD = 1
N_MLP = 1
N_NODES = 10000
N_EDGES = 320000

def _linear(key, fan_in, fan_out):
    k1, k2 = jax.random.split(key)
    lim = 1.0 / np.sqrt(fan_in)
    W = jax.random.uniform(k1, (fan_in, fan_out), minval=-lim, maxval=lim, dtype=jnp.float32)
    b = jax.random.uniform(k2, (fan_out,), minval=-lim, maxval=lim, dtype=jnp.float32)
    return W, b

def _make_params(key):
    heads = []
    kh = key
    for _ in range(N_HEAD):
        kh, kq, kk, kv, kr, ks = jax.random.split(kh, 6)
        Wq, bq = _linear(kq, X_SIZE, G_SIZE)
        Wk, bk = _linear(kk, X_SIZE, G_SIZE)
        Wv, bv = _linear(kv, X_SIZE, G_SIZE)
        res = []
        krr = kr
        for _ in range(N_MLP):
            krr, k1 = jax.random.split(krr)
            W, b = _linear(k1, MLP_SIZE, MLP_SIZE)
        res.append({'W': W, 'b': b, 'gamma': jnp.ones((MLP_SIZE,), jnp.float32), 'beta': jnp.zeros((MLP_SIZE,), jnp.float32)})
        Ws, bs = _linear(ks, MLP_SIZE, G_SIZE)
        heads.append({'Wq': Wq, 'bq': bq, 'Wk': Wk, 'bk': bk, 'Wv': Wv, 'bv': bv, 'res': res, 'Ws': Ws, 'bs': bs})
    kh, kw = jax.random.split(kh)
    lim = 1.0 / np.sqrt(G_SIZE * N_HEAD)
    W_scale = jax.random.uniform(kw, (G_SIZE * N_HEAD, X_SIZE), minval=-lim, maxval=lim, dtype=jnp.float32)
    return {'heads': heads, 'W_scale': W_scale}

def setup_inputs(seed: int = 0):
    key = jax.random.key(seed)
    kx, ke, kp = jax.random.split(key, 3)
    x = jax.random.normal(kx, (N_NODES, X_SIZE), dtype=jnp.float32)
    edge_index = jax.random.randint(ke, (2, N_EDGES), 0, N_NODES, dtype=jnp.int32)
    params = _make_params(kp)
    return {'x': x, 'edge_index': edge_index, 'params': params}

def _layer_norm(x, g, b):
    mu = jnp.mean(x, axis=-1, keepdims=True)
    var = jnp.var(x, axis=-1, keepdims=True)
    return (x - mu) / jnp.sqrt(var + 1e-5) * g + b

def _head(p, Q, K, V):
    q = Q @ p['Wq'] + p['bq']
    k = K @ p['Wk'] + p['bk']
    v = V @ p['Wv'] + p['bv']
    qk = q * k
    scores = qk / (q.shape[1] ** 0.5)
    attn = jax.nn.softmax(scores, axis=-1)
    attn_out = attn * v
    h = attn_out
    for r in p['res']:
        xn = _layer_norm(h, r['gamma'], r['beta'])
        h = h + jax.nn.relu(xn @ r['W'] + r['b'])
    return h @ p['Ws'] + p['bs'] + attn_out

def _forward(x, edge_index, params):
    src = edge_index[0]
    dst = edge_index[1]
    Q = jnp.take(x, src, axis=0)
    K = jnp.take(x, dst, axis=0)
    V = K
    outs = [_head(hp, Q, K, V) for hp in params['heads']]
    gate = jnp.concatenate(outs, axis=-1)
    h_e = Q - K + gate @ params['W_scale']
    h = x.at[dst].set(h_e)
    return jnp.take(h, dst, axis=0)

def reference(x, edge_index, params):
    return _forward(x, edge_index, params)

if __name__ == "__main__":
    import jax
    _d = setup_inputs()
    print(jax.jit(kernel)(*tuple(_d.values())))

</pallas_src>

<mosaic_0001>
#map = affine_map<(d0, d1) -> (0)>
#map1 = affine_map<(d0, d1) -> (0, 0)>
module attributes {stable_mosaic.version = 14 : i64} {
  func.func @_winners_gather(%arg0: i32, %arg1: i32, %arg2: memref<320000xi32, #tpu.memory_space<hbm>>, %arg3: memref<320000xi32, #tpu.memory_space<hbm>>, %arg4: memref<10240x128xf32, #tpu.memory_space<hbm>>, %arg5: memref<10240x128xf32, #tpu.memory_space<hbm>>, %arg6: memref<20000xi32, #tpu.memory_space<vmem>>, %arg7: memref<5120xi32, #tpu.memory_space<vmem>>, %arg8: memref<5120xi32, #tpu.memory_space<vmem>>, %arg9: memref<320xi32, #tpu.memory_space<vmem>>, %arg10: memref<320x128xf32, #tpu.memory_space<vmem>>, %arg11: memref<20000xi32, #tpu.memory_space<vmem>>, %arg12: memref<81920xi32, #tpu.memory_space<vmem_shared>>, %arg13: memref<320000xi32, #tpu.memory_space<vmem_shared>>, %arg14: memref<!tpu.dma_semaphore, #tpu.memory_space<semaphore_mem>>, %arg15: memref<!tpu.dma_semaphore, #tpu.memory_space<semaphore_mem>>) attributes {dimension_semantics = [#tpu.dimension_semantics<core_parallel>, #tpu.dimension_semantics<subcore_parallel>], iteration_bounds = array<i64: 2, 16>, scalar_prefetch = 0 : i64, scratch_operands = 10 : i64, tpu.core_type = #tpu.core_type<sc_vector_subcore>, window_params = [{transform_indices = #map}, {transform_indices = #map}, {transform_indices = #map1}, {transform_indices = #map1}]} {
    %mul3A = arith.constant 5120 : i32
    %mul3A_0 = arith.muli %arg0, %mul3A : i32
    %mul3A_1 = arith.constant 20000 : i32
    %mul3A_2 = arith.muli %arg1, %mul3A_1 : i32
    %dma_start3A = tpu.memref_slice %arg3[%mul3A_2] : memref<320000xi32, #tpu.memory_space<hbm>> -> memref<20000xi32, #tpu.memory_space<hbm>>
    %dma_start3A_3 = tpu.memref_slice %arg3[%mul3A_2] : memref<320000xi32, #tpu.memory_space<hbm>> -> memref<20000xi32, #tpu.memory_space<hbm>>
    tpu.enqueue_dma source(%dma_start3A_3 : memref<20000xi32, #tpu.memory_space<hbm>>) target(%arg11 : memref<20000xi32, #tpu.memory_space<vmem>>) target_semaphore(%arg15 : memref<!tpu.dma_semaphore, #tpu.memory_space<semaphore_mem>>)
    "tpu.region"() ({
      %run_scoped3A = tpu.sem_alloc : memref<!tpu.dma_semaphore, #tpu.memory_space<semaphore_mem>>
      %dma_start3A_439 = tpu.memref_slice %arg2[%mul3A_2] : memref<320000xi32, #tpu.memory_space<hbm>> -> memref<20000xi32, #tpu.memory_space<hbm>>
      %dma_start3A_440 = tpu.memref_slice %arg2[%mul3A_2] : memref<320000xi32, #tpu.memory_space<hbm>> -> memref<20000xi32, #tpu.memory_space<hbm>>
      tpu.enqueue_dma source(%dma_start3A_440 : memref<20000xi32, #tpu.memory_space<hbm>>) target(%arg6 : memref<20000xi32, #tpu.memory_space<vmem>>) target_semaphore(%run_scoped3A : memref<!tpu.dma_semaphore, #tpu.memory_space<semaphore_mem>>)
      %dma_wait3A_441 = tpu.memref_slice %arg2[%mul3A_2] : memref<320000xi32, #tpu.memory_space<hbm>> -> memref<20000xi32, #tpu.memory_space<hbm>>
      %dma_wait3A_442 = tpu.memref_slice %arg2[%mul3A_2] : memref<320000xi32, #tpu.memory_space<hbm>> -> memref<20000xi32, #tpu.memory_space<hbm>>
      tpu.wait_dma2 semaphore(%run_scoped3A : memref<!tpu.dma_semaphore, #tpu.memory_space<semaphore_mem>>) src(%dma_wait3A_442 : memref<20000xi32, #tpu.memory_space<hbm>>) dst(%arg6 : memref<20000xi32, #tpu.memory_space<vmem>>)
      tpu.yield
    }) : () -> ()
    %iota3A = tpu.iota {dimensions = array<i32: 0>} : vector<16xi32>
    %broadcast_in_dim3A = arith.constant -1 : i32
    %broadcast_in_dim3A_4 = vector.broadcast %broadcast_in_dim3A : i32 to vector<16xi32>
    %scan3A = arith.constant 0 : i32
    %scan3A_5 = arith.constant 0 : i32
    %scan3A_6 = arith.constant 320 : i32
    %scan3A_7 = arith.addi %scan3A_5, %scan3A_6 : i32
    %scan3A_8 = arith.constant 1 : i32
    %scan3A_9 = scf.for %scan3A_439 = %scan3A_5 to %scan3A_7 step %scan3A_8 iter_args(%scan3A_440 = %scan3A) -> (i32)  : i32 {
      %mul3A_441 = arith.constant 16 : i32
      %mul3A_442 = arith.muli %scan3A_439, %mul3A_441 : i32
      %swap3A = arith.index_cast %mul3A_442 : i32 to index
      %swap3A_443 = tpu.vector_load %arg7[%swap3A] {strides = array<i32>} : memref<5120xi32, #tpu.memory_space<vmem>>, vector<16xi32>,
      tpu.vector_store %arg7[%swap3A], %broadcast_in_dim3A_4 {strides = array<i32>} : memref<5120xi32, #tpu.memory_space<vmem>>, vector<16xi32>,
      %scan3A_444 = arith.constant 0 : i32
      scf.yield %scan3A_444 : i32
    }
    %scan3A_10 = arith.constant 320 : i32
    %scan3A_11 = arith.constant 0 : i32
    %scan3A_12 = arith.constant 0 : i32
    %scan3A_13 = arith.constant 1250 : i32
    %scan3A_14 = arith.addi %scan3A_12, %scan3A_13 : i32
    %scan3A_15 = arith.constant 1 : i32
    %scan3A_16 = scf.for %scan3A_439 = %scan3A_12 to %scan3A_14 step %scan3A_15 iter_args(%scan3A_440 = %scan3A_11) -> (i32)  : i32 {
      %mul3A_441 = arith.constant 16 : i32
      %mul3A_442 = arith.muli %scan3A_439, %mul3A_441 : i32
      %get3A = arith.index_cast %mul3A_442 : i32 to index
      %get3A_443 = tpu.vector_load %arg6[%get3A] {strides = array<i32>} : memref<20000xi32, #tpu.memory_space<vmem>>, vector<16xi32>,
      %sub3A = vector.broadcast %mul3A_0 : i32 to vector<16xi32>
      %sub3A_444 = arith.subi %get3A_443, %sub3A : vector<16xi32>
      %ge3A = arith.constant 0 : i32
      %ge3A_445 = vector.broadcast %ge3A : i32 to vector<16xi32>
      %ge3A_446 = arith.cmpi sge, %sub3A_444, %ge3A_445 : vector<16xi32>
      %lt3A = arith.constant 5120 : i32
      %lt3A_447 = vector.broadcast %lt3A : i32 to vector<16xi32>
      %lt3A_448 = arith.cmpi slt, %sub3A_444, %lt3A_447 : vector<16xi32>
      %and3A = arith.andi %ge3A_446, %lt3A_448 : vector<16xi1>
      %max3A = arith.constant 0 : i32
      %max3A_449 = vector.broadcast %max3A : i32 to vector<16xi32>
      %max3A_450 = arith.maxsi %sub3A_444, %max3A_449 : vector<16xi32>
      %min3A = arith.constant 5119 : i32
      %min3A_451 = vector.broadcast %min3A : i32 to vector<16xi32>
      %min3A_452 = arith.minsi %max3A_450, %min3A_451 : vector<16xi32>
      %mul3A_453 = arith.constant 16 : i32
      %mul3A_454 = arith.muli %scan3A_439, %mul3A_453 : i32
      %add3A_455 = arith.addi %mul3A_2, %mul3A_454 : i32
      %add3A_456 = vector.broadcast %add3A_455 : i32 to vector<16xi32>
      %add3A_457 = arith.addi %add3A_456, %iota3A : vector<16xi32>
      tpu.vector_store_idx %arg7[%min3A_452], %add3A_457 masked %and3A : memref<5120xi32, #tpu.memory_space<vmem>>[vector<16xi32>], vector<16xi32>, vector<16xi1>
      %scan3A_458 = arith.constant 0 : i32
      scf.yield %scan3A_458 : i32
    }
    %scan3A_17 = arith.constant 1250 : i32
    %mul3A_18 = arith.constant 5120 : i32
    %mul3A_19 = arith.muli %arg1, %mul3A_18 : i32
    "tpu.region"() ({
      %run_scoped3A = tpu.sem_alloc : memref<!tpu.dma_semaphore, #tpu.memory_space<semaphore_mem>>
      %dma_start3A_439 = tpu.memref_slice %arg12[%mul3A_19] : memref<81920xi32, #tpu.memory_space<vmem_shared>> -> memref<5120xi32, #tpu.memory_space<vmem_shared>>
      %dma_start3A_440 = tpu.memref_slice %arg12[%mul3A_19] : memref<81920xi32, #tpu.memory_space<vmem_shared>> -> memref<5120xi32, #tpu.memory_space<vmem_shared>>
      tpu.enqueue_dma source(%arg7 : memref<5120xi32, #tpu.memory_space<vmem>>) target(%dma_start3A_440 : memref<5120xi32, #tpu.memory_space<vmem_shared>>) target_semaphore(%run_scoped3A : memref<!tpu.dma_semaphore, #tpu.memory_space<semaphore_mem>>)
      %dma_wait3A_441 = tpu.memref_slice %arg12[%mul3A_19] : memref<81920xi32, #tpu.memory_space<vmem_shared>> -> memref<5120xi32, #tpu.memory_space<vmem_shared>>
      %dma_wait3A_442 = tpu.memref_slice %arg12[%mul3A_19] : memref<81920xi32, #tpu.memory_space<vmem_shared>> -> memref<5120xi32, #tpu.memory_space<vmem_shared>>
      tpu.wait_dma2 semaphore(%run_scoped3A : memref<!tpu.dma_semaphore, #tpu.memory_space<semaphore_mem>>) src(%arg7 : memref<5120xi32, #tpu.memory_space<vmem>>) dst(%dma_wait3A_442 : memref<5120xi32, #tpu.memory_space<vmem_shared>>)
      tpu.yield
    }) : () -> ()
    %dma_wait3A = arith.constant 0 : i32
    %dma_wait3A_20 = tpu.memref_slice %arg3[%dma_wait3A] : memref<320000xi32, #tpu.memory_space<hbm>> -> memref<20000xi32, #tpu.memory_space<hbm>>
    %dma_wait3A_21 = arith.constant 0 : i32
    %dma_wait3A_22 = tpu.memref_slice %arg3[%dma_wait3A_21] : memref<320000xi32, #tpu.memory_space<hbm>> -> memref<20000xi32, #tpu.memory_space<hbm>>
    tpu.wait_dma2 semaphore(%arg15 : memref<!tpu.dma_semaphore, #tpu.memory_space<semaphore_mem>>) src(%dma_wait3A_22 : memref<20000xi32, #tpu.memory_space<hbm>>) dst(%arg11 : memref<20000xi32, #tpu.memory_space<vmem>>)
    "tpu.region"() ({
      %run_scoped3A = tpu.sem_alloc : memref<!tpu.dma_semaphore, #tpu.memory_space<semaphore_mem>>
      %dma_start3A_439 = tpu.memref_slice %arg13[%mul3A_2] : memref<320000xi32, #tpu.memory_space<vmem_shared>> -> memref<20000xi32, #tpu.memory_space<vmem_shared>>
      %dma_start3A_440 = tpu.memref_slice %arg13[%mul3A_2] : memref<320000xi32, #tpu.memory_space<vmem_shared>> -> memref<20000xi32, #tpu.memory_space<vmem_shared>>
      tpu.enqueue_dma source(%arg11 : memref<20000xi32, #tpu.memory_space<vmem>>) target(%dma_start3A_440 : memref<20000xi32, #tpu.memory_space<vmem_shared>>) target_semaphore(%run_scoped3A : memref<!tpu.dma_semaphore, #tpu.memory_space<semaphore_mem>>)
      %dma_wait3A_441 = tpu.memref_slice %arg13[%mul3A_2] : memref<320000xi32, #tpu.memory_space<vmem_shared>> -> memref<20000xi32, #tpu.memory_space<vmem_shared>>
      %dma_wait3A_442 = tpu.memref_slice %arg13[%mul3A_2] : memref<320000xi32, #tpu.memory_space<vmem_shared>> -> memref<20000xi32, #tpu.memory_space<vmem_shared>>
      tpu.wait_dma2 semaphore(%run_scoped3A : memref<!tpu.dma_semaphore, #tpu.memory_space<semaphore_mem>>) src(%arg11 : memref<20000xi32, #tpu.memory_space<vmem>>) dst(%dma_wait3A_442 : memref<20000xi32, #tpu.memory_space<vmem_shared>>)
      tpu.yield
    }) : () -> ()
    %barrier3A = arith.constant 0 : index
    tpu.barrier barrier_id(%barrier3A)
    %mul3A_23 = arith.constant 320 : i32
    %mul3A_24 = arith.muli %arg1, %mul3A_23 : i32
    %add3A = arith.constant 0 : i32
    %add3A_25 = arith.addi %add3A, %mul3A_24 : i32
    %dma_start3A_26 = arith.constant 0 : i32
    %dma_start3A_27 = tpu.memref_slice %arg8[%dma_start3A_26] : memref<5120xi32, #tpu.memory_space<vmem>> -> memref<320xi32, #tpu.memory_space<vmem>>
    %dma_start3A_28 = tpu.memref_slice %arg12[%add3A_25] : memref<81920xi32, #tpu.memory_space<vmem_shared>> -> memref<320xi32, #tpu.memory_space<vmem_shared>>
    %dma_start3A_29 = arith.constant 0 : i32
    %dma_start3A_30 = tpu.memref_slice %arg8[%dma_start3A_29] : memref<5120xi32, #tpu.memory_space<vmem>> -> memref<320xi32, #tpu.memory_space<vmem>>
    %dma_start3A_31 = tpu.memref_slice %arg12[%add3A_25] : memref<81920xi32, #tpu.memory_space<vmem_shared>> -> memref<320xi32, #tpu.memory_space<vmem_shared>>
    tpu.enqueue_dma source(%dma_start3A_31 : memref<320xi32, #tpu.memory_space<vmem_shared>>) target(%dma_start3A_30 : memref<320xi32, #tpu.memory_space<vmem>>) target_semaphore(%arg14 : memref<!tpu.dma_semaphore, #tpu.memory_space<semaphore_mem>>)
    %mul3A_32 = arith.constant 320 : i32
    %mul3A_33 = arith.muli %arg1, %mul3A_32 : i32
    %add3A_34 = arith.constant 5120 : i32
    %add3A_35 = arith.addi %add3A_34, %mul3A_33 : i32
    %dma_start3A_36 = arith.constant 320 : i32
    %dma_start3A_37 = tpu.memref_slice %arg8[%dma_start3A_36] : memref<5120xi32, #tpu.memory_space<vmem>> -> memref<320xi32, #tpu.memory_space<vmem>>
    %dma_start3A_38 = tpu.memref_slice %arg12[%add3A_35] : memref<81920xi32, #tpu.memory_space<vmem_shared>> -> memref<320xi32, #tpu.memory_space<vmem_shared>>
    %dma_start3A_39 = arith.constant 320 : i32
    %dma_start3A_40 = tpu.memref_slice %arg8[%dma_start3A_39] : memref<5120xi32, #tpu.memory_space<vmem>> -> memref<320xi32, #tpu.memory_space<vmem>>
    %dma_start3A_41 = tpu.memref_slice %arg12[%add3A_35] : memref<81920xi32, #tpu.memory_space<vmem_shared>> -> memref<320xi32, #tpu.memory_space<vmem_shared>>
    tpu.enqueue_dma source(%dma_start3A_41 : memref<320xi32, #tpu.memory_space<vmem_shared>>) target(%dma_start3A_40 : memref<320xi32, #tpu.memory_space<vmem>>) target_semaphore(%arg14 : memref<!tpu.dma_semaphore, #tpu.memory_space<semaphore_mem>>)
    %mul3A_42 = arith.constant 320 : i32
    %mul3A_43 = arith.muli %arg1, %mul3A_42 : i32
    %add3A_44 = arith.constant 10240 : i32
    %add3A_45 = arith.addi %add3A_44, %mul3A_43 : i32
    %dma_start3A_46 = arith.constant 640 : i32
    %dma_start3A_47 = tpu.memref_slice %arg8[%dma_start3A_46] : memref<5120xi32, #tpu.memory_space<vmem>> -> memref<320xi32, #tpu.memory_space<vmem>>
    %dma_start3A_48 = tpu.memref_slice %arg12[%add3A_45] : memref<81920xi32, #tpu.memory_space<vmem_shared>> -> memref<320xi32, #tpu.memory_space<vmem_shared>>
    %dma_start3A_49 = arith.constant 640 : i32
    %dma_start3A_50 = tpu.memref_slice %arg8[%dma_start3A_49] : memref<5120xi32, #tpu.memory_space<vmem>> -> memref<320xi32, #tpu.memory_space<vmem>>
    %dma_start3A_51 = tpu.memref_slice %arg12[%add3A_45] : memref<81920xi32, #tpu.memory_space<vmem_shared>> -> memref<320xi32, #tpu.memory_space<vmem_shared>>
    tpu.enqueue_dma source(%dma_start3A_51 : memref<320xi32, #tpu.memory_space<vmem_shared>>) target(%dma_start3A_50 : memref<320xi32, #tpu.memory_space<vmem>>) target_semaphore(%arg14 : memref<!tpu.dma_semaphore, #tpu.memory_space<semaphore_mem>>)
    %mul3A_52 = arith.constant 320 : i32
    %mul3A_53 = arith.muli %arg1, %mul3A_52 : i32
    %add3A_54 = arith.constant 15360 : i32
    %add3A_55 = arith.addi %add3A_54, %mul3A_53 : i32
    %dma_start3A_56 = arith.constant 960 : i32
    %dma_start3A_57 = tpu.memref_slice %arg8[%dma_start3A_56] : memref<5120xi32, #tpu.memory_space<vmem>> -> memref<320xi32, #tpu.memory_space<vmem>>
    %dma_start3A_58 = tpu.memref_slice %arg12[%add3A_55] : memref<81920xi32, #tpu.memory_space<vmem_shared>> -> memref<320xi32, #tpu.memory_space<vmem_shared>>
    %dma_start3A_59 = arith.constant 960 : i32
    %dma_start3A_60 = tpu.memref_slice %arg8[%dma_start3A_59] : memref<5120xi32, #tpu.memory_space<vmem>> -> memref<320xi32, #tpu.memory_space<vmem>>
    %dma_start3A_61 = tpu.memref_slice %arg12[%add3A_55] : memref<81920xi32, #tpu.memory_space<vmem_shared>> -> memref<320xi32, #tpu.memory_space<vmem_shared>>
    tpu.enqueue_dma source(%dma_start3A_61 : memref<320xi32, #tpu.memory_space<vmem_shared>>) target(%dma_start3A_60 : memref<320xi32, #tpu.memory_space<vmem>>) target_semaphore(%arg14 : memref<!tpu.dma_semaphore, #tpu.memory_space<semaphore_mem>>)
    %mul3A_62 = arith.constant 320 : i32
    %mul3A_63 = arith.muli %arg1, %mul3A_62 : i32
    %add3A_64 = arith.constant 20480 : i32
    %add3A_65 = arith.addi %add3A_64, %mul3A_63 : i32
    %dma_start3A_66 = arith.constant 1280 : i32
    %dma_start3A_67 = tpu.memref_slice %arg8[%dma_start3A_66] : memref<5120xi32, #tpu.memory_space<vmem>> -> memref<320xi32, #tpu.memory_space<vmem>>
    %dma_start3A_68 = tpu.memref_slice %arg12[%add3A_65] : memref<81920xi32, #tpu.memory_space<vmem_shared>> -> memref<320xi32, #tpu.memory_space<vmem_shared>>
    %dma_start3A_69 = arith.constant 1280 : i32
    %dma_start3A_70 = tpu.memref_slice %arg8[%dma_start3A_69] : memref<5120xi32, #tpu.memory_space<vmem>> -> memref<320xi32, #tpu.memory_space<vmem>>
    %dma_start3A_71 = tpu.memref_slice %arg12[%add3A_65] : memref<81920xi32, #tpu.memory_space<vmem_shared>> -> memref<320xi32, #tpu.memory_space<vmem_shared>>
    tpu.enqueue_dma source(%dma_start3A_71 : memref<320xi32, #tpu.memory_space<vmem_shared>>) target(%dma_start3A_70 : memref<320xi32, #tpu.memory_space<vmem>>) target_semaphore(%arg14 : memref<!tpu.dma_semaphore, #tpu.memory_space<semaphore_mem>>)
    %mul3A_72 = arith.constant 320 : i32
    %mul3A_73 = arith.muli %arg1, %mul3A_72 : i32
    %add3A_74 = arith.constant 25600 : i32
    %add3A_75 = arith.addi %add3A_74, %mul3A_73 : i32
    %dma_start3A_76 = arith.constant 1600 : i32
    %dma_start3A_77 = tpu.memref_slice %arg8[%dma_start3A_76] : memref<5120xi32, #tpu.memory_space<vmem>> -> memref<320xi32, #tpu.memory_space<vmem>>
    %dma_start3A_78 = tpu.memref_slice %arg12[%add3A_75] : memref<81920xi32, #tpu.memory_space<vmem_shared>> -> memref<320xi32, #tpu.memory_space<vmem_shared>>
    %dma_start3A_79 = arith.constant 1600 : i32
    %dma_start3A_80 = tpu.memref_slice %arg8[%dma_start3A_79] : memref<5120xi32, #tpu.memory_space<vmem>> -> memref<320xi32, #tpu.memory_space<vmem>>
    %dma_start3A_81 = tpu.memref_slice %arg12[%add3A_75] : memref<81920xi32, #tpu.memory_space<vmem_shared>> -> memref<320xi32, #tpu.memory_space<vmem_shared>>
    tpu.enqueue_dma source(%dma_start3A_81 : memref<320xi32, #tpu.memory_space<vmem_shared>>) target(%dma_start3A_80 : memref<320xi32, #tpu.memory_space<vmem>>) target_semaphore(%arg14 : memref<!tpu.dma_semaphore, #tpu.memory_space<semaphore_mem>>)
    %mul3A_82 = arith.constant 320 : i32
    %mul3A_83 = arith.muli %arg1, %mul3A_82 : i32
    %add3A_84 = arith.constant 30720 : i32
    %add3A_85 = arith.addi %add3A_84, %mul3A_83 : i32
    %dma_start3A_86 = arith.constant 1920 : i32
    %dma_start3A_87 = tpu.memref_slice %arg8[%dma_start3A_86] : memref<5120xi32, #tpu.memory_space<vmem>> -> memref<320xi32, #tpu.memory_space<vmem>>
    %dma_start3A_88 = tpu.memref_slice %arg12[%add3A_85] : memref<81920xi32, #tpu.memory_space<vmem_shared>> -> memref<320xi32, #tpu.memory_space<vmem_shared>>
    %dma_start3A_89 = arith.constant 1920 : i32
    %dma_start3A_90 = tpu.memref_slice %arg8[%dma_start3A_89] : memref<5120xi32, #tpu.memory_space<vmem>> -> memref<320xi32, #tpu.memory_space<vmem>>
    %dma_start3A_91 = tpu.memref_slice %arg12[%add3A_85] : memref<81920xi32, #tpu.memory_space<vmem_shared>> -> memref<320xi32, #tpu.memory_space<vmem_shared>>
    tpu.enqueue_dma source(%dma_start3A_91 : memref<320xi32, #tpu.memory_space<vmem_shared>>) target(%dma_start3A_90 : memref<320xi32, #tpu.memory_space<vmem>>) target_semaphore(%arg14 : memref<!tpu.dma_semaphore, #tpu.memory_space<semaphore_mem>>)
    %mul3A_92 = arith.constant 320 : i32
    %mul3A_93 = arith.muli %arg1, %mul3A_92 : i32
    %add3A_94 = arith.constant 35840 : i32
    %add3A_95 = arith.addi %add3A_94, %mul3A_93 : i32
    %dma_start3A_96 = arith.constant 2240 : i32
    %dma_start3A_97 = tpu.memref_slice %arg8[%dma_start3A_96] : memref<5120xi32, #tpu.memory_space<vmem>> -> memref<320xi32, #tpu.memory_space<vmem>>
    %dma_start3A_98 = tpu.memref_slice %arg12[%add3A_95] : memref<81920xi32, #tpu.memory_space<vmem_shared>> -> memref<320xi32, #tpu.memory_space<vmem_shared>>
    %dma_start3A_99 = arith.constant 2240 : i32
    %dma_start3A_100 = tpu.memref_slice %arg8[%dma_start3A_99] : memref<5120xi32, #tpu.memory_space<vmem>> -> memref<320xi32, #tpu.memory_space<vmem>>
    %dma_start3A_101 = tpu.memref_slice %arg12[%add3A_95] : memref<81920xi32, #tpu.memory_space<vmem_shared>> -> memref<320xi32, #tpu.memory_space<vmem_shared>>
    tpu.enqueue_dma source(%dma_start3A_101 : memref<320xi32, #tpu.memory_space<vmem_shared>>) target(%dma_start3A_100 : memref<320xi32, #tpu.memory_space<vmem>>) target_semaphore(%arg14 : memref<!tpu.dma_semaphore, #tpu.memory_space<semaphore_mem>>)
    %mul3A_102 = arith.constant 320 : i32
    %mul3A_103 = arith.muli %arg1, %mul3A_102 : i32
    %add3A_104 = arith.constant 40960 : i32
    %add3A_105 = arith.addi %add3A_104, %mul3A_103 : i32
    %dma_start3A_106 = arith.constant 2560 : i32
    %dma_start3A_107 = tpu.memref_slice %arg8[%dma_start3A_106] : memref<5120xi32, #tpu.memory_space<vmem>> -> memref<320xi32, #tpu.memory_space<vmem>>
    %dma_start3A_108 = tpu.memref_slice %arg12[%add3A_105] : memref<81920xi32, #tpu.memory_space<vmem_shared>> -> memref<320xi32, #tpu.memory_space<vmem_shared>>
    %dma_start3A_109 = arith.constant 2560 : i32
    %dma_start3A_110 = tpu.memref_slice %arg8[%dma_start3A_109] : memref<5120xi32, #tpu.memory_space<vmem>> -> memref<320xi32, #tpu.memory_space<vmem>>
    %dma_start3A_111 = tpu.memref_slice %arg12[%add3A_105] : memref<81920xi32, #tpu.memory_space<vmem_shared>> -> memref<320xi32, #tpu.memory_space<vmem_shared>>
    tpu.enqueue_dma source(%dma_start3A_111 : memref<320xi32, #tpu.memory_space<vmem_shared>>) target(%dma_start3A_110 : memref<320xi32, #tpu.memory_space<vmem>>) target_semaphore(%arg14 : memref<!tpu.dma_semaphore, #tpu.memory_space<semaphore_mem>>)
    %mul3A_112 = arith.constant 320 : i32
    %mul3A_113 = arith.muli %arg1, %mul3A_112 : i32
    %add3A_114 = arith.constant 46080 : i32
    %add3A_115 = arith.addi %add3A_114, %mul3A_113 : i32
    %dma_start3A_116 = arith.constant 2880 : i32
    %dma_start3A_117 = tpu.memref_slice %arg8[%dma_start3A_116] : memref<5120xi32, #tpu.memory_space<vmem>> -> memref<320xi32, #tpu.memory_space<vmem>>
    %dma_start3A_118 = tpu.memref_slice %arg12[%add3A_115] : memref<81920xi32, #tpu.memory_space<vmem_shared>> -> memref<320xi32, #tpu.memory_space<vmem_shared>>
    %dma_start3A_119 = arith.constant 2880 : i32
    %dma_start3A_120 = tpu.memref_slice %arg8[%dma_start3A_119] : memref<5120xi32, #tpu.memory_space<vmem>> -> memref<320xi32, #tpu.memory_space<vmem>>
    %dma_start3A_121 = tpu.memref_slice %arg12[%add3A_115] : memref<81920xi32, #tpu.memory_space<vmem_shared>> -> memref<320xi32, #tpu.memory_space<vmem_shared>>
    tpu.enqueue_dma source(%dma_start3A_121 : memref<320xi32, #tpu.memory_space<vmem_shared>>) target(%dma_start3A_120 : memref<320xi32, #tpu.memory_space<vmem>>) target_semaphore(%arg14 : memref<!tpu.dma_semaphore, #tpu.memory_space<semaphore_mem>>)
    %mul3A_122 = arith.constant 320 : i32
    %mul3A_123 = arith.muli %arg1, %mul3A_122 : i32
    %add3A_124 = arith.constant 51200 : i32
    %add3A_125 = arith.addi %add3A_124, %mul3A_123 : i32
    %dma_start3A_126 = arith.constant 3200 : i32
    %dma_start3A_127 = tpu.memref_slice %arg8[%dma_start3A_126] : memref<5120xi32, #tpu.memory_space<vmem>> -> memref<320xi32, #tpu.memory_space<vmem>>
    %dma_start3A_128 = tpu.memref_slice %arg12[%add3A_125] : memref<81920xi32, #tpu.memory_space<vmem_shared>> -> memref<320xi32, #tpu.memory_space<vmem_shared>>
    %dma_start3A_129 = arith.constant 3200 : i32
    %dma_start3A_130 = tpu.memref_slice %arg8[%dma_start3A_129] : memref<5120xi32, #tpu.memory_space<vmem>> -> memref<320xi32, #tpu.memory_space<vmem>>
    %dma_start3A_131 = tpu.memref_slice %arg12[%add3A_125] : memref<81920xi32, #tpu.memory_space<vmem_shared>> -> memref<320xi32, #tpu.memory_space<vmem_shared>>
    tpu.enqueue_dma source(%dma_start3A_131 : memref<320xi32, #tpu.memory_space<vmem_shared>>) target(%dma_start3A_130 : memref<320xi32, #tpu.memory_space<vmem>>) target_semaphore(%arg14 : memref<!tpu.dma_semaphore, #tpu.memory_space<semaphore_mem>>)
    %mul3A_132 = arith.constant 320 : i32
    %mul3A_133 = arith.muli %arg1, %mul3A_132 : i32
    %add3A_134 = arith.constant 56320 : i32
    %add3A_135 = arith.addi %add3A_134, %mul3A_133 : i32
    %dma_start3A_136 = arith.constant 3520 : i32
    %dma_start3A_137 = tpu.memref_slice %arg8[%dma_start3A_136] : memref<5120xi32, #tpu.memory_space<vmem>> -> memref<320xi32, #tpu.memory_space<vmem>>
    %dma_start3A_138 = tpu.memref_slice %arg12[%add3A_135] : memref<81920xi32, #tpu.memory_space<vmem_shared>> -> memref<320xi32, #tpu.memory_space<vmem_shared>>
    %dma_start3A_139 = arith.constant 3520 : i32
    %dma_start3A_140 = tpu.memref_slice %arg8[%dma_start3A_139] : memref<5120xi32, #tpu.memory_space<vmem>> -> memref<320xi32, #tpu.memory_space<vmem>>
    %dma_start3A_141 = tpu.memref_slice %arg12[%add3A_135] : memref<81920xi32, #tpu.memory_space<vmem_shared>> -> memref<320xi32, #tpu.memory_space<vmem_shared>>
    tpu.enqueue_dma source(%dma_start3A_141 : memref<320xi32, #tpu.memory_space<vmem_shared>>) target(%dma_start3A_140 : memref<320xi32, #tpu.memory_space<vmem>>) target_semaphore(%arg14 : memref<!tpu.dma_semaphore, #tpu.memory_space<semaphore_mem>>)
    %mul3A_142 = arith.constant 320 : i32
    %mul3A_143 = arith.muli %arg1, %mul3A_142 : i32
    %add3A_144 = arith.constant 61440 : i32
    %add3A_145 = arith.addi %add3A_144, %mul3A_143 : i32
    %dma_start3A_146 = arith.constant 3840 : i32
    %dma_start3A_147 = tpu.memref_slice %arg8[%dma_start3A_146] : memref<5120xi32, #tpu.memory_space<vmem>> -> memref<320xi32, #tpu.memory_space<vmem>>
    %dma_start3A_148 = tpu.memref_slice %arg12[%add3A_145] : memref<81920xi32, #tpu.memory_space<vmem_shared>> -> memref<320xi32, #tpu.memory_space<vmem_shared>>
    %dma_start3A_149 = arith.constant 3840 : i32
    %dma_start3A_150 = tpu.memref_slice %arg8[%dma_start3A_149] : memref<5120xi32, #tpu.memory_space<vmem>> -> memref<320xi32, #tpu.memory_space<vmem>>
    %dma_start3A_151 = tpu.memref_slice %arg12[%add3A_145] : memref<81920xi32, #tpu.memory_space<vmem_shared>> -> memref<320xi32, #tpu.memory_space<vmem_shared>>
    tpu.enqueue_dma source(%dma_start3A_151 : memref<320xi32, #tpu.memory_space<vmem_shared>>) target(%dma_start3A_150 : memref<320xi32, #tpu.memory_space<vmem>>) target_semaphore(%arg14 : memref<!tpu.dma_semaphore, #tpu.memory_space<semaphore_mem>>)
    %mul3A_152 = arith.constant 320 : i32
    %mul3A_153 = arith.muli %arg1, %mul3A_152 : i32
    %add3A_154 = arith.constant 66560 : i32
    %add3A_155 = arith.addi %add3A_154, %mul3A_153 : i32
    %dma_start3A_156 = arith.constant 4160 : i32
    %dma_start3A_157 = tpu.memref_slice %arg8[%dma_start3A_156] : memref<5120xi32, #tpu.memory_space<vmem>> -> memref<320xi32, #tpu.memory_space<vmem>>
    %dma_start3A_158 = tpu.memref_slice %arg12[%add3A_155] : memref<81920xi32, #tpu.memory_space<vmem_shared>> -> memref<320xi32, #tpu.memory_space<vmem_shared>>
    %dma_start3A_159 = arith.constant 4160 : i32
    %dma_start3A_160 = tpu.memref_slice %arg8[%dma_start3A_159] : memref<5120xi32, #tpu.memory_space<vmem>> -> memref<320xi32, #tpu.memory_space<vmem>>
    %dma_start3A_161 = tpu.memref_slice %arg12[%add3A_155] : memref<81920xi32, #tpu.memory_space<vmem_shared>> -> memref<320xi32, #tpu.memory_space<vmem_shared>>
    tpu.enqueue_dma source(%dma_start3A_161 : memref<320xi32, #tpu.memory_space<vmem_shared>>) target(%dma_start3A_160 : memref<320xi32, #tpu.memory_space<vmem>>) target_semaphore(%arg14 : memref<!tpu.dma_semaphore, #tpu.memory_space<semaphore_mem>>)
    %mul3A_162 = arith.constant 320 : i32
    %mul3A_163 = arith.muli %arg1, %mul3A_162 : i32
    %add3A_164 = arith.constant 71680 : i32
    %add3A_165 = arith.addi %add3A_164, %mul3A_163 : i32
    %dma_start3A_166 = arith.constant 4480 : i32
    %dma_start3A_167 = tpu.memref_slice %arg8[%dma_start3A_166] : memref<5120xi32, #tpu.memory_space<vmem>> -> memref<320xi32, #tpu.memory_space<vmem>>
    %dma_start3A_168 = tpu.memref_slice %arg12[%add3A_165] : memref<81920xi32, #tpu.memory_space<vmem_shared>> -> memref<320xi32, #tpu.memory_space<vmem_shared>>
    %dma_start3A_169 = arith.constant 4480 : i32
    %dma_start3A_170 = tpu.memref_slice %arg8[%dma_start3A_169] : memref<5120xi32, #tpu.memory_space<vmem>> -> memref<320xi32, #tpu.memory_space<vmem>>
    %dma_start3A_171 = tpu.memref_slice %arg12[%add3A_165] : memref<81920xi32, #tpu.memory_space<vmem_shared>> -> memref<320xi32, #tpu.memory_space<vmem_shared>>
    tpu.enqueue_dma source(%dma_start3A_171 : memref<320xi32, #tpu.memory_space<vmem_shared>>) target(%dma_start3A_170 : memref<320xi32, #tpu.memory_space<vmem>>) target_semaphore(%arg14 : memref<!tpu.dma_semaphore, #tpu.memory_space<semaphore_mem>>)
    %mul3A_172 = arith.constant 320 : i32
    %mul3A_173 = arith.muli %arg1, %mul3A_172 : i32
    %add3A_174 = arith.constant 76800 : i32
    %add3A_175 = arith.addi %add3A_174, %mul3A_173 : i32
    %dma_start3A_176 = arith.constant 4800 : i32
    %dma_start3A_177 = tpu.memref_slice %arg8[%dma_start3A_176] : memref<5120xi32, #tpu.memory_space<vmem>> -> memref<320xi32, #tpu.memory_space<vmem>>
    %dma_start3A_178 = tpu.memref_slice %arg12[%add3A_175] : memref<81920xi32, #tpu.memory_space<vmem_shared>> -> memref<320xi32, #tpu.memory_space<vmem_shared>>
    %dma_start3A_179 = arith.constant 4800 : i32
    %dma_start3A_180 = tpu.memref_slice %arg8[%dma_start3A_179] : memref<5120xi32, #tpu.memory_space<vmem>> -> memref<320xi32, #tpu.memory_space<vmem>>
    %dma_start3A_181 = tpu.memref_slice %arg12[%add3A_175] : memref<81920xi32, #tpu.memory_space<vmem_shared>> -> memref<320xi32, #tpu.memory_space<vmem_shared>>
    tpu.enqueue_dma source(%dma_start3A_181 : memref<320xi32, #tpu.memory_space<vmem_shared>>) target(%dma_start3A_180 : memref<320xi32, #tpu.memory_space<vmem>>) target_semaphore(%arg14 : memref<!tpu.dma_semaphore, #tpu.memory_space<semaphore_mem>>)
    %mul3A_182 = arith.constant 320 : i32
    %mul3A_183 = arith.muli %arg1, %mul3A_182 : i32
    %dma_wait3A_184 = arith.constant 0 : i32
    %dma_wait3A_185 = tpu.memref_slice %arg8[%dma_wait3A_184] : memref<5120xi32, #tpu.memory_space<vmem>> -> memref<320xi32, #tpu.memory_space<vmem>>
    %dma_wait3A_186 = tpu.memref_slice %arg12[%mul3A_183] : memref<81920xi32, #tpu.memory_space<vmem_shared>> -> memref<320xi32, #tpu.memory_space<vmem_shared>>
    %dma_wait3A_187 = arith.constant 0 : i32
    %dma_wait3A_188 = tpu.memref_slice %arg8[%dma_wait3A_187] : memref<5120xi32, #tpu.memory_space<vmem>> -> memref<320xi32, #tpu.memory_space<vmem>>
    %dma_wait3A_189 = tpu.memref_slice %arg12[%mul3A_183] : memref<81920xi32, #tpu.memory_space<vmem_shared>> -> memref<320xi32, #tpu.memory_space<vmem_shared>>
    tpu.wait_dma2 semaphore(%arg14 : memref<!tpu.dma_semaphore, #tpu.memory_space<semaphore_mem>>) src(%dma_wait3A_189 : memref<320xi32, #tpu.memory_space<vmem_shared>>) dst(%dma_wait3A_188 : memref<320xi32, #tpu.memory_space<vmem>>)
    %mul3A_190 = arith.constant 320 : i32
    %mul3A_191 = arith.muli %arg1, %mul3A_190 : i32
    %dma_wait3A_192 = arith.constant 0 : i32
    %dma_wait3A_193 = tpu.memref_slice %arg8[%dma_wait3A_192] : memref<5120xi32, #tpu.memory_space<vmem>> -> memref<320xi32, #tpu.memory_space<vmem>>
    %dma_wait3A_194 = tpu.memref_slice %arg12[%mul3A_191] : memref<81920xi32, #tpu.memory_space<vmem_shared>> -> memref<320xi32, #tpu.memory_space<vmem_shared>>
    %dma_wait3A_195 = arith.constant 0 : i32
    %dma_wait3A_196 = tpu.memref_slice %arg8[%dma_wait3A_195] : memref<5120xi32, #tpu.memory_space<vmem>> -> memref<320xi32, #tpu.memory_space<vmem>>
    %dma_wait3A_197 = tpu.memref_slice %arg12[%mul3A_191] : memref<81920xi32, #tpu.memory_space<vmem_shared>> -> memref<320xi32, #tpu.memory_space<vmem_shared>>
    tpu.wait_dma2 semaphore(%arg14 : memref<!tpu.dma_semaphore, #tpu.memory_space<semaphore_mem>>) src(%dma_wait3A_197 : memref<320xi32, #tpu.memory_space<vmem_shared>>) dst(%dma_wait3A_196 : memref<320xi32, #tpu.memory_space<vmem>>)
    %mul3A_198 = arith.constant 320 : i32
    %mul3A_199 = arith.muli %arg1, %mul3A_198 : i32
    %dma_wait3A_200 = arith.constant 0 : i32
    %dma_wait3A_201 = tpu.memref_slice %arg8[%dma_wait3A_200] : memref<5120xi32, #tpu.memory_space<vmem>> -> memref<320xi32, #tpu.memory_space<vmem>>
    %dma_wait3A_202 = tpu.memref_slice %arg12[%mul3A_199] : memref<81920xi32, #tpu.memory_space<vmem_shared>> -> memref<320xi32, #tpu.memory_space<vmem_shared>>
    %dma_wait3A_203 = arith.constant 0 : i32
    %dma_wait3A_204 = tpu.memref_slice %arg8[%dma_wait3A_203] : memref<5120xi32, #tpu.memory_space<vmem>> -> memref<320xi32, #tpu.memory_space<vmem>>
    %dma_wait3A_205 = tpu.memref_slice %arg12[%mul3A_199] : memref<81920xi32, #tpu.memory_space<vmem_shared>> -> memref<320xi32, #tpu.memory_space<vmem_shared>>
    tpu.wait_dma2 semaphore(%arg14 : memref<!tpu.dma_semaphore, #tpu.memory_space<semaphore_mem>>) src(%dma_wait3A_205 : memref<320xi32, #tpu.memory_space<vmem_shared>>) dst(%dma_wait3A_204 : memref<320xi32, #tpu.memory_space<vmem>>)
    %mul3A_206 = arith.constant 320 : i32
    %mul3A_207 = arith.muli %arg1, %mul3A_206 : i32
    %dma_wait3A_208 = arith.constant 0 : i32
    %dma_wait3A_209 = tpu.memref_slice %arg8[%dma_wait3A_208] : memref<5120xi32, #tpu.memory_space<vmem>> -> memref<320xi32, #tpu.memory_space<vmem>>
    %dma_wait3A_210 = tpu.memref_slice %arg12[%mul3A_207] : memref<81920xi32, #tpu.memory_space<vmem_shared>> -> memref<320xi32, #tpu.memory_space<vmem_shared>>
    %dma_wait3A_211 = arith.constant 0 : i32
    %dma_wait3A_212 = tpu.memref_slice %arg8[%dma_wait3A_211] : memref<5120xi32, #tpu.memory_space<vmem>> -> memref<320xi32, #tpu.memory_space<vmem>>
    %dma_wait3A_213 = tpu.memref_slice %arg12[%mul3A_207] : memref<81920xi32, #tpu.memory_space<vmem_shared>> -> memref<320xi32, #tpu.memory_space<vmem_shared>>
    tpu.wait_dma2 semaphore(%arg14 : memref<!tpu.dma_semaphore, #tpu.memory_space<semaphore_mem>>) src(%dma_wait3A_213 : memref<320xi32, #tpu.memory_space<vmem_shared>>) dst(%dma_wait3A_212 : memref<320xi32, #tpu.memory_space<vmem>>)
    %mul3A_214 = arith.constant 320 : i32
    %mul3A_215 = arith.muli %arg1, %mul3A_214 : i32
    %dma_wait3A_216 = arith.constant 0 : i32
    %dma_wait3A_217 = tpu.memref_slice %arg8[%dma_wait3A_216] : memref<5120xi32, #tpu.memory_space<vmem>> -> memref<320xi32, #tpu.memory_space<vmem>>
    %dma_wait3A_218 = tpu.memref_slice %arg12[%mul3A_215] : memref<81920xi32, #tpu.memory_space<vmem_shared>> -> memref<320xi32, #tpu.memory_space<vmem_shared>>
    %dma_wait3A_219 = arith.constant 0 : i32
    %dma_wait3A_220 = tpu.memref_slice %arg8[%dma_wait3A_219] : memref<5120xi32, #tpu.memory_space<vmem>> -> memref<320xi32, #tpu.memory_space<vmem>>
    %dma_wait3A_221 = tpu.memref_slice %arg12[%mul3A_215] : memref<81920xi32, #tpu.memory_space<vmem_shared>> -> memref<320xi32, #tpu.memory_space<vmem_shared>>
    tpu.wait_dma2 semaphore(%arg14 : memref<!tpu.dma_semaphore, #tpu.memory_space<semaphore_mem>>) src(%dma_wait3A_221 : memref<320xi32, #tpu.memory_space<vmem_shared>>) dst(%dma_wait3A_220 : memref<320xi32, #tpu.memory_space<vmem>>)
    %mul3A_222 = arith.constant 320 : i32
    %mul3A_223 = arith.muli %arg1, %mul3A_222 : i32
    %dma_wait3A_224 = arith.constant 0 : i32
    %dma_wait3A_225 = tpu.memref_slice %arg8[%dma_wait3A_224] : memref<5120xi32, #tpu.memory_space<vmem>> -> memref<320xi32, #tpu.memory_space<vmem>>
    %dma_wait3A_226 = tpu.memref_slice %arg12[%mul3A_223] : memref<81920xi32, #tpu.memory_space<vmem_shared>> -> memref<320xi32, #tpu.memory_space<vmem_shared>>
    %dma_wait3A_227 = arith.constant 0 : i32
    %dma_wait3A_228 = tpu.memref_slice %arg8[%dma_wait3A_227] : memref<5120xi32, #tpu.memory_space<vmem>> -> memref<320xi32, #tpu.memory_space<vmem>>
    %dma_wait3A_229 = tpu.memref_slice %arg12[%mul3A_223] : memref<81920xi32, #tpu.memory_space<vmem_shared>> -> memref<320xi32, #tpu.memory_space<vmem_shared>>
    tpu.wait_dma2 semaphore(%arg14 : memref<!tpu.dma_semaphore, #tpu.memory_space<semaphore_mem>>) src(%dma_wait3A_229 : memref<320xi32, #tpu.memory_space<vmem_shared>>) dst(%dma_wait3A_228 : memref<320xi32, #tpu.memory_space<vmem>>)
    %mul3A_230 = arith.constant 320 : i32
    %mul3A_231 = arith.muli %arg1, %mul3A_230 : i32
    %dma_wait3A_232 = arith.constant 0 : i32
    %dma_wait3A_233 = tpu.memref_slice %arg8[%dma_wait3A_232] : memref<5120xi32, #tpu.memory_space<vmem>> -> memref<320xi32, #tpu.memory_space<vmem>>
    %dma_wait3A_234 = tpu.memref_slice %arg12[%mul3A_231] : memref<81920xi32, #tpu.memory_space<vmem_shared>> -> memref<320xi32, #tpu.memory_space<vmem_shared>>
    %dma_wait3A_235 = arith.constant 0 : i32
    %dma_wait3A_236 = tpu.memref_slice %arg8[%dma_wait3A_235] : memref<5120xi32, #tpu.memory_space<vmem>> -> memref<320xi32, #tpu.memory_space<vmem>>
    %dma_wait3A_237 = tpu.memref_slice %arg12[%mul3A_231] : memref<81920xi32, #tpu.memory_space<vmem_shared>> -> memref<320xi32, #tpu.memory_space<vmem_shared>>
    tpu.wait_dma2 semaphore(%arg14 : memref<!tpu.dma_semaphore, #tpu.memory_space<semaphore_mem>>) src(%dma_wait3A_237 : memref<320xi32, #tpu.memory_space<vmem_shared>>) dst(%dma_wait3A_236 : memref<320xi32, #tpu.memory_space<vmem>>)
    %mul3A_238 = arith.constant 320 : i32
    %mul3A_239 = arith.muli %arg1, %mul3A_238 : i32
    %dma_wait3A_240 = arith.constant 0 : i32
    %dma_wait3A_241 = tpu.memref_slice %arg8[%dma_wait3A_240] : memref<5120xi32, #tpu.memory_space<vmem>> -> memref<320xi32, #tpu.memory_space<vmem>>
    %dma_wait3A_242 = tpu.memref_slice %arg12[%mul3A_239] : memref<81920xi32, #tpu.memory_space<vmem_shared>> -> memref<320xi32, #tpu.memory_space<vmem_shared>>
    %dma_wait3A_243 = arith.constant 0 : i32
    %dma_wait3A_244 = tpu.memref_slice %arg8[%dma_wait3A_243] : memref<5120xi32, #tpu.memory_space<vmem>> -> memref<320xi32, #tpu.memory_space<vmem>>
    %dma_wait3A_245 = tpu.memref_slice %arg12[%mul3A_239] : memref<81920xi32, #tpu.memory_space<vmem_shared>> -> memref<320xi32, #tpu.memory_space<vmem_shared>>
    tpu.wait_dma2 semaphore(%arg14 : memref<!tpu.dma_semaphore, #tpu.memory_space<semaphore_mem>>) src(%dma_wait3A_245 : memref<320xi32, #tpu.memory_space<vmem_shared>>) dst(%dma_wait3A_244 : memref<320xi32, #tpu.memory_space<vmem>>)
    %mul3A_246 = arith.constant 320 : i32
    %mul3A_247 = arith.muli %arg1, %mul3A_246 : i32
    %dma_wait3A_248 = arith.constant 0 : i32
    %dma_wait3A_249 = tpu.memref_slice %arg8[%dma_wait3A_248] : memref<5120xi32, #tpu.memory_space<vmem>> -> memref<320xi32, #tpu.memory_space<vmem>>
    %dma_wait3A_250 = tpu.memref_slice %arg12[%mul3A_247] : memref<81920xi32, #tpu.memory_space<vmem_shared>> -> memref<320xi32, #tpu.memory_space<vmem_shared>>
    %dma_wait3A_251 = arith.constant 0 : i32
    %dma_wait3A_252 = tpu.memref_slice %arg8[%dma_wait3A_251] : memref<5120xi32, #tpu.memory_space<vmem>> -> memref<320xi32, #tpu.memory_space<vmem>>
    %dma_wait3A_253 = tpu.memref_slice %arg12[%mul3A_247] : memref<81920xi32, #tpu.memory_space<vmem_shared>> -> memref<320xi32, #tpu.memory_space<vmem_shared>>
    tpu.wait_dma2 semaphore(%arg14 : memref<!tpu.dma_semaphore, #tpu.memory_space<semaphore_mem>>) src(%dma_wait3A_253 : memref<320xi32, #tpu.memory_space<vmem_shared>>) dst(%dma_wait3A_252 : memref<320xi32, #tpu.memory_space<vmem>>)
    %mul3A_254 = arith.constant 320 : i32
    %mul3A_255 = arith.muli %arg1, %mul3A_254 : i32
    %dma_wait3A_256 = arith.constant 0 : i32
    %dma_wait3A_257 = tpu.memref_slice %arg8[%dma_wait3A_256] : memref<5120xi32, #tpu.memory_space<vmem>> -> memref<320xi32, #tpu.memory_space<vmem>>
    %dma_wait3A_258 = tpu.memref_slice %arg12[%mul3A_255] : memref<81920xi32, #tpu.memory_space<vmem_shared>> -> memref<320xi32, #tpu.memory_space<vmem_shared>>
    %dma_wait3A_259 = arith.constant 0 : i32
    %dma_wait3A_260 = tpu.memref_slice %arg8[%dma_wait3A_259] : memref<5120xi32, #tpu.memory_space<vmem>> -> memref<320xi32, #tpu.memory_space<vmem>>
    %dma_wait3A_261 = tpu.memref_slice %arg12[%mul3A_255] : memref<81920xi32, #tpu.memory_space<vmem_shared>> -> memref<320xi32, #tpu.memory_space<vmem_shared>>
    tpu.wait_dma2 semaphore(%arg14 : memref<!tpu.dma_semaphore, #tpu.memory_space<semaphore_mem>>) src(%dma_wait3A_261 : memref<320xi32, #tpu.memory_space<vmem_shared>>) dst(%dma_wait3A_260 : memref<320xi32, #tpu.memory_space<vmem>>)
    %mul3A_262 = arith.constant 320 : i32
    %mul3A_263 = arith.muli %arg1, %mul3A_262 : i32
    %dma_wait3A_264 = arith.constant 0 : i32
    %dma_wait3A_265 = tpu.memref_slice %arg8[%dma_wait3A_264] : memref<5120xi32, #tpu.memory_space<vmem>> -> memref<320xi32, #tpu.memory_space<vmem>>
    %dma_wait3A_266 = tpu.memref_slice %arg12[%mul3A_263] : memref<81920xi32, #tpu.memory_space<vmem_shared>> -> memref<320xi32, #tpu.memory_space<vmem_shared>>
    %dma_wait3A_267 = arith.constant 0 : i32
    %dma_wait3A_268 = tpu.memref_slice %arg8[%dma_wait3A_267] : memref<5120xi32, #tpu.memory_space<vmem>> -> memref<320xi32, #tpu.memory_space<vmem>>
    %dma_wait3A_269 = tpu.memref_slice %arg12[%mul3A_263] : memref<81920xi32, #tpu.memory_space<vmem_shared>> -> memref<320xi32, #tpu.memory_space<vmem_shared>>
    tpu.wait_dma2 semaphore(%arg14 : memref<!tpu.dma_semaphore, #tpu.memory_space<semaphore_mem>>) src(%dma_wait3A_269 : memref<320xi32, #tpu.memory_space<vmem_shared>>) dst(%dma_wait3A_268 : memref<320xi32, #tpu.memory_space<vmem>>)
    %mul3A_270 = arith.constant 320 : i32
    %mul3A_271 = arith.muli %arg1, %mul3A_270 : i32
    %dma_wait3A_272 = arith.constant 0 : i32
    %dma_wait3A_273 = tpu.memref_slice %arg8[%dma_wait3A_272] : memref<5120xi32, #tpu.memory_space<vmem>> -> memref<320xi32, #tpu.memory_space<vmem>>
    %dma_wait3A_274 = tpu.memref_slice %arg12[%mul3A_271] : memref<81920xi32, #tpu.memory_space<vmem_shared>> -> memref<320xi32, #tpu.memory_space<vmem_shared>>
    %dma_wait3A_275 = arith.constant 0 : i32
    %dma_wait3A_276 = tpu.memref_slice %arg8[%dma_wait3A_275] : memref<5120xi32, #tpu.memory_space<vmem>> -> memref<320xi32, #tpu.memory_space<vmem>>
    %dma_wait3A_277 = tpu.memref_slice %arg12[%mul3A_271] : memref<81920xi32, #tpu.memory_space<vmem_shared>> -> memref<320xi32, #tpu.memory_space<vmem_shared>>
    tpu.wait_dma2 semaphore(%arg14 : memref<!tpu.dma_semaphore, #tpu.memory_space<semaphore_mem>>) src(%dma_wait3A_277 : memref<320xi32, #tpu.memory_space<vmem_shared>>) dst(%dma_wait3A_276 : memref<320xi32, #tpu.memory_space<vmem>>)
    %mul3A_278 = arith.constant 320 : i32
    %mul3A_279 = arith.muli %arg1, %mul3A_278 : i32
    %dma_wait3A_280 = arith.constant 0 : i32
    %dma_wait3A_281 = tpu.memref_slice %arg8[%dma_wait3A_280] : memref<5120xi32, #tpu.memory_space<vmem>> -> memref<320xi32, #tpu.memory_space<vmem>>
    %dma_wait3A_282 = tpu.memref_slice %arg12[%mul3A_279] : memref<81920xi32, #tpu.memory_space<vmem_shared>> -> memref<320xi32, #tpu.memory_space<vmem_shared>>
    %dma_wait3A_283 = arith.constant 0 : i32
    %dma_wait3A_284 = tpu.memref_slice %arg8[%dma_wait3A_283] : memref<5120xi32, #tpu.memory_space<vmem>> -> memref<320xi32, #tpu.memory_space<vmem>>
    %dma_wait3A_285 = tpu.memref_slice %arg12[%mul3A_279] : memref<81920xi32, #tpu.memory_space<vmem_shared>> -> memref<320xi32, #tpu.memory_space<vmem_shared>>
    tpu.wait_dma2 semaphore(%arg14 : memref<!tpu.dma_semaphore, #tpu.memory_space<semaphore_mem>>) src(%dma_wait3A_285 : memref<320xi32, #tpu.memory_space<vmem_shared>>) dst(%dma_wait3A_284 : memref<320xi32, #tpu.memory_space<vmem>>)
    %mul3A_286 = arith.constant 320 : i32
    %mul3A_287 = arith.muli %arg1, %mul3A_286 : i32
    %dma_wait3A_288 = arith.constant 0 : i32
    %dma_wait3A_289 = tpu.memref_slice %arg8[%dma_wait3A_288] : memref<5120xi32, #tpu.memory_space<vmem>> -> memref<320xi32, #tpu.memory_space<vmem>>
    %dma_wait3A_290 = tpu.memref_slice %arg12[%mul3A_287] : memref<81920xi32, #tpu.memory_space<vmem_shared>> -> memref<320xi32, #tpu.memory_space<vmem_shared>>
    %dma_wait3A_291 = arith.constant 0 : i32
    %dma_wait3A_292 = tpu.memref_slice %arg8[%dma_wait3A_291] : memref<5120xi32, #tpu.memory_space<vmem>> -> memref<320xi32, #tpu.memory_space<vmem>>
    %dma_wait3A_293 = tpu.memref_slice %arg12[%mul3A_287] : memref<81920xi32, #tpu.memory_space<vmem_shared>> -> memref<320xi32, #tpu.memory_space<vmem_shared>>
    tpu.wait_dma2 semaphore(%arg14 : memref<!tpu.dma_semaphore, #tpu.memory_space<semaphore_mem>>) src(%dma_wait3A_293 : memref<320xi32, #tpu.memory_space<vmem_shared>>) dst(%dma_wait3A_292 : memref<320xi32, #tpu.memory_space<vmem>>)
    %mul3A_294 = arith.constant 320 : i32
    %mul3A_295 = arith.muli %arg1, %mul3A_294 : i32
    %dma_wait3A_296 = arith.constant 0 : i32
    %dma_wait3A_297 = tpu.memref_slice %arg8[%dma_wait3A_296] : memref<5120xi32, #tpu.memory_space<vmem>> -> memref<320xi32, #tpu.memory_space<vmem>>
    %dma_wait3A_298 = tpu.memref_slice %arg12[%mul3A_295] : memref<81920xi32, #tpu.memory_space<vmem_shared>> -> memref<320xi32, #tpu.memory_space<vmem_shared>>
    %dma_wait3A_299 = arith.constant 0 : i32
    %dma_wait3A_300 = tpu.memref_slice %arg8[%dma_wait3A_299] : memref<5120xi32, #tpu.memory_space<vmem>> -> memref<320xi32, #tpu.memory_space<vmem>>
    %dma_wait3A_301 = tpu.memref_slice %arg12[%mul3A_295] : memref<81920xi32, #tpu.memory_space<vmem_shared>> -> memref<320xi32, #tpu.memory_space<vmem_shared>>
    tpu.wait_dma2 semaphore(%arg14 : memref<!tpu.dma_semaphore, #tpu.memory_space<semaphore_mem>>) src(%dma_wait3A_301 : memref<320xi32, #tpu.memory_space<vmem_shared>>) dst(%dma_wait3A_300 : memref<320xi32, #tpu.memory_space<vmem>>)
    %mul3A_302 = arith.constant 320 : i32
    %mul3A_303 = arith.muli %arg1, %mul3A_302 : i32
    %dma_wait3A_304 = arith.constant 0 : i32
    %dma_wait3A_305 = tpu.memref_slice %arg8[%dma_wait3A_304] : memref<5120xi32, #tpu.memory_space<vmem>> -> memref<320xi32, #tpu.memory_space<vmem>>
    %dma_wait3A_306 = tpu.memref_slice %arg12[%mul3A_303] : memref<81920xi32, #tpu.memory_space<vmem_shared>> -> memref<320xi32, #tpu.memory_space<vmem_shared>>
    %dma_wait3A_307 = arith.constant 0 : i32
    %dma_wait3A_308 = tpu.memref_slice %arg8[%dma_wait3A_307] : memref<5120xi32, #tpu.memory_space<vmem>> -> memref<320xi32, #tpu.memory_space<vmem>>
    %dma_wait3A_309 = tpu.memref_slice %arg12[%mul3A_303] : memref<81920xi32, #tpu.memory_space<vmem_shared>> -> memref<320xi32, #tpu.memory_space<vmem_shared>>
    tpu.wait_dma2 semaphore(%arg14 : memref<!tpu.dma_semaphore, #tpu.memory_space<semaphore_mem>>) src(%dma_wait3A_309 : memref<320xi32, #tpu.memory_space<vmem_shared>>) dst(%dma_wait3A_308 : memref<320xi32, #tpu.memory_space<vmem>>)
    %scan3A_310 = arith.constant 0 : i32
    %scan3A_311 = arith.constant 0 : i32
    %scan3A_312 = arith.constant 20 : i32
    %scan3A_313 = arith.addi %scan3A_311, %scan3A_312 : i32
    %scan3A_314 = arith.constant 1 : i32
    %scan3A_315 = scf.for %scan3A_439 = %scan3A_311 to %scan3A_313 step %scan3A_314 iter_args(%scan3A_440 = %scan3A_310) -> (i32)  : i32 {
      %mul3A_441 = arith.constant 16 : i32
      %mul3A_442 = arith.muli %scan3A_439, %mul3A_441 : i32
      %get3A = arith.index_cast %mul3A_442 : i32 to index
      %get3A_443 = tpu.vector_load %arg8[%get3A] {strides = array<i32>} : memref<5120xi32, #tpu.memory_space<vmem>>, vector<16xi32>,
      %mul3A_444 = arith.constant 16 : i32
      %mul3A_445 = arith.muli %scan3A_439, %mul3A_444 : i32
      %add3A_446 = arith.constant 320 : i32
      %add3A_447 = arith.addi %add3A_446, %mul3A_445 : i32
      %get3A_448 = arith.index_cast %add3A_447 : i32 to index
      %get3A_449 = tpu.vector_load %arg8[%get3A_448] {strides = array<i32>} : memref<5120xi32, #tpu.memory_space<vmem>>, vector<16xi32>,
      %max3A = arith.maxsi %get3A_443, %get3A_449 : vector<16xi32>
      %mul3A_450 = arith.constant 16 : i32
      %mul3A_451 = arith.muli %scan3A_439, %mul3A_450 : i32
      %add3A_452 = arith.constant 640 : i32
      %add3A_453 = arith.addi %add3A_452, %mul3A_451 : i32
      %get3A_454 = arith.index_cast %add3A_453 : i32 to index
      %get3A_455 = tpu.vector_load %arg8[%get3A_454] {strides = array<i32>} : memref<5120xi32, #tpu.memory_space<vmem>>, vector<16xi32>,
      %max3A_456 = arith.maxsi %max3A, %get3A_455 : vector<16xi32>
      %mul3A_457 = arith.constant 16 : i32
      %mul3A_458 = arith.muli %scan3A_439, %mul3A_457 : i32
      %add3A_459 = arith.constant 960 : i32
      %add3A_460 = arith.addi %add3A_459, %mul3A_458 : i32
      %get3A_461 = arith.index_cast %add3A_460 : i32 to index
      %get3A_462 = tpu.vector_load %arg8[%get3A_461] {strides = array<i32>} : memref<5120xi32, #tpu.memory_space<vmem>>, vector<16xi32>,
      %max3A_463 = arith.maxsi %max3A_456, %get3A_462 : vector<16xi32>
      %mul3A_464 = arith.constant 16 : i32
      %mul3A_465 = arith.muli %scan3A_439, %mul3A_464 : i32
      %add3A_466 = arith.constant 1280 : i32
      %add3A_467 = arith.addi %add3A_466, %mul3A_465 : i32
      %get3A_468 = arith.index_cast %add3A_467 : i32 to index
      %get3A_469 = tpu.vector_load %arg8[%get3A_468] {strides = array<i32>} : memref<5120xi32, #tpu.memory_space<vmem>>, vector<16xi32>,
      %max3A_470 = arith.maxsi %max3A_463, %get3A_469 : vector<16xi32>
      %mul3A_471 = arith.constant 16 : i32
      %mul3A_472 = arith.muli %scan3A_439, %mul3A_471 : i32
      %add3A_473 = arith.constant 1600 : i32
      %add3A_474 = arith.addi %add3A_473, %mul3A_472 : i32
      %get3A_475 = arith.index_cast %add3A_474 : i32 to index
      %get3A_476 = tpu.vector_load %arg8[%get3A_475] {strides = array<i32>} : memref<5120xi32, #tpu.memory_space<vmem>>, vector<16xi32>,
      %max3A_477 = arith.maxsi %max3A_470, %get3A_476 : vector<16xi32>
      %mul3A_478 = arith.constant 16 : i32
      %mul3A_479 = arith.muli %scan3A_439, %mul3A_478 : i32
      %add3A_480 = arith.constant 1920 : i32
      %add3A_481 = arith.addi %add3A_480, %mul3A_479 : i32
      %get3A_482 = arith.index_cast %add3A_481 : i32 to index
      %get3A_483 = tpu.vector_load %arg8[%get3A_482] {strides = array<i32>} : memref<5120xi32, #tpu.memory_space<vmem>>, vector<16xi32>,
      %max3A_484 = arith.maxsi %max3A_477, %get3A_483 : vector<16xi32>
      %mul3A_485 = arith.constant 16 : i32
      %mul3A_486 = arith.muli %scan3A_439, %mul3A_485 : i32
      %add3A_487 = arith.constant 2240 : i32
      %add3A_488 = arith.addi %add3A_487, %mul3A_486 : i32
      %get3A_489 = arith.index_cast %add3A_488 : i32 to index
      %get3A_490 = tpu.vector_load %arg8[%get3A_489] {strides = array<i32>} : memref<5120xi32, #tpu.memory_space<vmem>>, vector<16xi32>,
      %max3A_491 = arith.maxsi %max3A_484, %get3A_490 : vector<16xi32>
      %mul3A_492 = arith.constant 16 : i32
      %mul3A_493 = arith.muli %scan3A_439, %mul3A_492 : i32
      %add3A_494 = arith.constant 2560 : i32
      %add3A_495 = arith.addi %add3A_494, %mul3A_493 : i32
      %get3A_496 = arith.index_cast %add3A_495 : i32 to index
      %get3A_497 = tpu.vector_load %arg8[%get3A_496] {strides = array<i32>} : memref<5120xi32, #tpu.memory_space<vmem>>, vector<16xi32>,
      %max3A_498 = arith.maxsi %max3A_491, %get3A_497 : vector<16xi32>
      %mul3A_499 = arith.constant 16 : i32
      %mul3A_500 = arith.muli %scan3A_439, %mul3A_499 : i32
      %add3A_501 = arith.constant 2880 : i32
      %add3A_502 = arith.addi %add3A_501, %mul3A_500 : i32
      %get3A_503 = arith.index_cast %add3A_502 : i32 to index
      %get3A_504 = tpu.vector_load %arg8[%get3A_503] {strides = array<i32>} : memref<5120xi32, #tpu.memory_space<vmem>>, vector<16xi32>,
      %max3A_505 = arith.maxsi %max3A_498, %get3A_504 : vector<16xi32>
      %mul3A_506 = arith.constant 16 : i32
      %mul3A_507 = arith.muli %scan3A_439, %mul3A_506 : i32
      %add3A_508 = arith.constant 3200 : i32
      %add3A_509 = arith.addi %add3A_508, %mul3A_507 : i32
      %get3A_510 = arith.index_cast %add3A_509 : i32 to index
      %get3A_511 = tpu.vector_load %arg8[%get3A_510] {strides = array<i32>} : memref<5120xi32, #tpu.memory_space<vmem>>, vector<16xi32>,
      %max3A_512 = arith.maxsi %max3A_505, %get3A_511 : vector<16xi32>
      %mul3A_513 = arith.constant 16 : i32
      %mul3A_514 = arith.muli %scan3A_439, %mul3A_513 : i32
      %add3A_515 = arith.constant 3520 : i32
      %add3A_516 = arith.addi %add3A_515, %mul3A_514 : i32
      %get3A_517 = arith.index_cast %add3A_516 : i32 to index
      %get3A_518 = tpu.vector_load %arg8[%get3A_517] {strides = array<i32>} : memref<5120xi32, #tpu.memory_space<vmem>>, vector<16xi32>,
      %max3A_519 = arith.maxsi %max3A_512, %get3A_518 : vector<16xi32>
      %mul3A_520 = arith.constant 16 : i32
      %mul3A_521 = arith.muli %scan3A_439, %mul3A_520 : i32
      %add3A_522 = arith.constant 3840 : i32
      %add3A_523 = arith.addi %add3A_522, %mul3A_521 : i32
      %get3A_524 = arith.index_cast %add3A_523 : i32 to index
      %get3A_525 = tpu.vector_load %arg8[%get3A_524] {strides = array<i32>} : memref<5120xi32, #tpu.memory_space<vmem>>, vector<16xi32>,
      %max3A_526 = arith.maxsi %max3A_519, %get3A_525 : vector<16xi32>
      %mul3A_527 = arith.constant 16 : i32
      %mul3A_528 = arith.muli %scan3A_439, %mul3A_527 : i32
      %add3A_529 = arith.constant 4160 : i32
      %add3A_530 = arith.addi %add3A_529, %mul3A_528 : i32
      %get3A_531 = arith.index_cast %add3A_530 : i32 to index
      %get3A_532 = tpu.vector_load %arg8[%get3A_531] {strides = array<i32>} : memref<5120xi32, #tpu.memory_space<vmem>>, vector<16xi32>,
      %max3A_533 = arith.maxsi %max3A_526, %get3A_532 : vector<16xi32>
      %mul3A_534 = arith.constant 16 : i32
      %mul3A_535 = arith.muli %scan3A_439, %mul3A_534 : i32
      %add3A_536 = arith.constant 4480 : i32
      %add3A_537 = arith.addi %add3A_536, %mul3A_535 : i32
      %get3A_538 = arith.index_cast %add3A_537 : i32 to index
      %get3A_539 = tpu.vector_load %arg8[%get3A_538] {strides = array<i32>} : memref<5120xi32, #tpu.memory_space<vmem>>, vector<16xi32>,
      %max3A_540 = arith.maxsi %max3A_533, %get3A_539 : vector<16xi32>
      %mul3A_541 = arith.constant 16 : i32
      %mul3A_542 = arith.muli %scan3A_439, %mul3A_541 : i32
      %add3A_543 = arith.constant 4800 : i32
      %add3A_544 = arith.addi %add3A_543, %mul3A_542 : i32
      %get3A_545 = arith.index_cast %add3A_544 : i32 to index
      %get3A_546 = tpu.vector_load %arg8[%get3A_545] {strides = array<i32>} : memref<5120xi32, #tpu.memory_space<vmem>>, vector<16xi32>,
      %max3A_547 = arith.maxsi %max3A_540, %get3A_546 : vector<16xi32>
      %max3A_548 = arith.constant 0 : i32
      %max3A_549 = vector.broadcast %max3A_548 : i32 to vector<16xi32>
      %max3A_550 = arith.maxsi %max3A_547, %max3A_549 : vector<16xi32>
      %mul3A_551 = arith.constant 16 : i32
      %mul3A_552 = arith.muli %scan3A_439, %mul3A_551 : i32
      %swap3A = arith.index_cast %mul3A_552 : i32 to index
      %swap3A_553 = tpu.vector_load %arg8[%swap3A] {strides = array<i32>} : memref<5120xi32, #tpu.memory_space<vmem>>, vector<16xi32>,
      tpu.vector_store %arg8[%swap3A], %max3A_550 {strides = array<i32>} : memref<5120xi32, #tpu.memory_space<vmem>>, vector<16xi32>,
      %shift_right_arithmetic3A = arith.constant 31 : i32
      %shift_right_arithmetic3A_554 = vector.broadcast %shift_right_arithmetic3A : i32 to vector<16xi32>
      %shift_right_arithmetic3A_555 = arith.shrsi %max3A_547, %shift_right_arithmetic3A_554 : vector<16xi32>
      %mul3A_556 = arith.constant 16 : i32
      %mul3A_557 = arith.muli %scan3A_439, %mul3A_556 : i32
      %add3A_558 = arith.constant 320 : i32
      %add3A_559 = arith.addi %add3A_558, %mul3A_557 : i32
      %swap3A_560 = arith.index_cast %add3A_559 : i32 to index
      %swap3A_561 = tpu.vector_load %arg8[%swap3A_560] {strides = array<i32>} : memref<5120xi32, #tpu.memory_space<vmem>>, vector<16xi32>,
      tpu.vector_store %arg8[%swap3A_560], %shift_right_arithmetic3A_555 {strides = array<i32>} : memref<5120xi32, #tpu.memory_space<vmem>>, vector<16xi32>,
      %scan3A_562 = arith.constant 0 : i32
      scf.yield %scan3A_562 : i32
    }
    %scan3A_316 = arith.constant 20 : i32
    %dma_start3A_317 = arith.constant 0 : i32
    %dma_start3A_318 = tpu.memref_slice %arg9[%dma_start3A_317] : memref<320xi32, #tpu.memory_space<vmem>> -> memref<80xi32, #tpu.memory_space<vmem>>
    %dma_start3A_319 = arith.constant 0 : i32
    %dma_start3A_320 = tpu.memref_slice %arg8[%dma_start3A_319] : memref<5120xi32, #tpu.memory_space<vmem>> -> memref<80xi32, #tpu.memory_space<vmem>>
    %dma_start3A_321 = arith.constant 0 : i32
    %dma_start3A_322 = tpu.memref_slice %arg13[%dma_start3A_321] : memref<320000xi32, #tpu.memory_space<vmem_shared>> -> memref<320000xi32, #tpu.memory_space<vmem_shared>>
    tpu.enqueue_indirect_dma source(%dma_start3A_322 : memref<320000xi32, #tpu.memory_space<vmem_shared>>) target(%dma_start3A_318 : memref<80xi32, #tpu.memory_space<vmem>>) offsets(%dma_start3A_320 : memref<80xi32, #tpu.memory_space<vmem>>) semaphore(%arg14 : memref<!tpu.dma_semaphore, #tpu.memory_space<semaphore_mem>>)
    %dma_start3A_323 = arith.constant 80 : i32
    %dma_start3A_324 = tpu.memref_slice %arg9[%dma_start3A_323] : memref<320xi32, #tpu.memory_space<vmem>> -> memref<80xi32, #tpu.memory_space<vmem>>
    %dma_start3A_325 = arith.constant 80 : i32
    %dma_start3A_326 = tpu.memref_slice %arg8[%dma_start3A_325] : memref<5120xi32, #tpu.memory_space<vmem>> -> memref<80xi32, #tpu.memory_space<vmem>>
    %dma_start3A_327 = arith.constant 0 : i32
    %dma_start3A_328 = tpu.memref_slice %arg13[%dma_start3A_327] : memref<320000xi32, #tpu.memory_space<vmem_shared>> -> memref<320000xi32, #tpu.memory_space<vmem_shared>>
    tpu.enqueue_indirect_dma source(%dma_start3A_328 : memref<320000xi32, #tpu.memory_space<vmem_shared>>) target(%dma_start3A_324 : memref<80xi32, #tpu.memory_space<vmem>>) offsets(%dma_start3A_326 : memref<80xi32, #tpu.memory_space<vmem>>) semaphore(%arg14 : memref<!tpu.dma_semaphore, #tpu.memory_space<semaphore_mem>>)
    %dma_start3A_329 = arith.constant 160 : i32
    %dma_start3A_330 = tpu.memref_slice %arg9[%dma_start3A_329] : memref<320xi32, #tpu.memory_space<vmem>> -> memref<80xi32, #tpu.memory_space<vmem>>
    %dma_start3A_331 = arith.constant 160 : i32
    %dma_start3A_332 = tpu.memref_slice %arg8[%dma_start3A_331] : memref<5120xi32, #tpu.memory_space<vmem>> -> memref<80xi32, #tpu.memory_space<vmem>>
    %dma_start3A_333 = arith.constant 0 : i32
    %dma_start3A_334 = tpu.memref_slice %arg13[%dma_start3A_333] : memref<320000xi32, #tpu.memory_space<vmem_shared>> -> memref<320000xi32, #tpu.memory_space<vmem_shared>>
    tpu.enqueue_indirect_dma source(%dma_start3A_334 : memref<320000xi32, #tpu.memory_space<vmem_shared>>) target(%dma_start3A_330 : memref<80xi32, #tpu.memory_space<vmem>>) offsets(%dma_start3A_332 : memref<80xi32, #tpu.memory_space<vmem>>) semaphore(%arg14 : memref<!tpu.dma_semaphore, #tpu.memory_space<semaphore_mem>>)
    %dma_start3A_335 = arith.constant 240 : i32
    %dma_start3A_336 = tpu.memref_slice %arg9[%dma_start3A_335] : memref<320xi32, #tpu.memory_space<vmem>> -> memref<80xi32, #tpu.memory_space<vmem>>
    %dma_start3A_337 = arith.constant 240 : i32
    %dma_start3A_338 = tpu.memref_slice %arg8[%dma_start3A_337] : memref<5120xi32, #tpu.memory_space<vmem>> -> memref<80xi32, #tpu.memory_space<vmem>>
    %dma_start3A_339 = arith.constant 0 : i32
    %dma_start3A_340 = tpu.memref_slice %arg13[%dma_start3A_339] : memref<320000xi32, #tpu.memory_space<vmem_shared>> -> memref<320000xi32, #tpu.memory_space<vmem_shared>>
    tpu.enqueue_indirect_dma source(%dma_start3A_340 : memref<320000xi32, #tpu.memory_space<vmem_shared>>) target(%dma_start3A_336 : memref<80xi32, #tpu.memory_space<vmem>>) offsets(%dma_start3A_338 : memref<80xi32, #tpu.memory_space<vmem>>) semaphore(%arg14 : memref<!tpu.dma_semaphore, #tpu.memory_space<semaphore_mem>>)
    %dma_wait3A_341 = arith.constant 0 : i32
    %dma_wait3A_342 = tpu.memref_slice %arg9[%dma_wait3A_341] : memref<320xi32, #tpu.memory_space<vmem>> -> memref<80xi32, #tpu.memory_space<vmem>>
    %dma_wait3A_343 = arith.constant 0 : i32
    %dma_wait3A_344 = tpu.memref_slice %arg8[%dma_wait3A_343] : memref<5120xi32, #tpu.memory_space<vmem>> -> memref<80xi32, #tpu.memory_space<vmem>>
    %dma_wait3A_345 = arith.constant 0 : i32
    %dma_wait3A_346 = tpu.memref_slice %arg13[%dma_wait3A_345] : memref<320000xi32, #tpu.memory_space<vmem_shared>> -> memref<320000xi32, #tpu.memory_space<vmem_shared>>
    tpu.wait_indirect_dma semaphore(%arg14 : memref<!tpu.dma_semaphore, #tpu.memory_space<semaphore_mem>>) src(%dma_wait3A_346 : memref<320000xi32, #tpu.memory_space<vmem_shared>>) dst(%dma_wait3A_342 : memref<80xi32, #tpu.memory_space<vmem>>)
    %dma_wait3A_347 = arith.constant 0 : i32
    %dma_wait3A_348 = tpu.memref_slice %arg9[%dma_wait3A_347] : memref<320xi32, #tpu.memory_space<vmem>> -> memref<80xi32, #tpu.memory_space<vmem>>
    %dma_wait3A_349 = arith.constant 0 : i32
    %dma_wait3A_350 = tpu.memref_slice %arg8[%dma_wait3A_349] : memref<5120xi32, #tpu.memory_space<vmem>> -> memref<80xi32, #tpu.memory_space<vmem>>
    %dma_wait3A_351 = arith.constant 0 : i32
    %dma_wait3A_352 = tpu.memref_slice %arg13[%dma_wait3A_351] : memref<320000xi32, #tpu.memory_space<vmem_shared>> -> memref<320000xi32, #tpu.memory_space<vmem_shared>>
    tpu.wait_indirect_dma semaphore(%arg14 : memref<!tpu.dma_semaphore, #tpu.memory_space<semaphore_mem>>) src(%dma_wait3A_352 : memref<320000xi32, #tpu.memory_space<vmem_shared>>) dst(%dma_wait3A_348 : memref<80xi32, #tpu.memory_space<vmem>>)
    %dma_wait3A_353 = arith.constant 0 : i32
    %dma_wait3A_354 = tpu.memref_slice %arg9[%dma_wait3A_353] : memref<320xi32, #tpu.memory_space<vmem>> -> memref<80xi32, #tpu.memory_space<vmem>>
    %dma_wait3A_355 = arith.constant 0 : i32
    %dma_wait3A_356 = tpu.memref_slice %arg8[%dma_wait3A_355] : memref<5120xi32, #tpu.memory_space<vmem>> -> memref<80xi32, #tpu.memory_space<vmem>>
    %dma_wait3A_357 = arith.constant 0 : i32
    %dma_wait3A_358 = tpu.memref_slice %arg13[%dma_wait3A_357] : memref<320000xi32, #tpu.memory_space<vmem_shared>> -> memref<320000xi32, #tpu.memory_space<vmem_shared>>
    tpu.wait_indirect_dma semaphore(%arg14 : memref<!tpu.dma_semaphore, #tpu.memory_space<semaphore_mem>>) src(%dma_wait3A_358 : memref<320000xi32, #tpu.memory_space<vmem_shared>>) dst(%dma_wait3A_354 : memref<80xi32, #tpu.memory_space<vmem>>)
    %dma_wait3A_359 = arith.constant 0 : i32
    %dma_wait3A_360 = tpu.memref_slice %arg9[%dma_wait3A_359] : memref<320xi32, #tpu.memory_space<vmem>> -> memref<80xi32, #tpu.memory_space<vmem>>
    %dma_wait3A_361 = arith.constant 0 : i32
    %dma_wait3A_362 = tpu.memref_slice %arg8[%dma_wait3A_361] : memref<5120xi32, #tpu.memory_space<vmem>> -> memref<80xi32, #tpu.memory_space<vmem>>
    %dma_wait3A_363 = arith.constant 0 : i32
    %dma_wait3A_364 = tpu.memref_slice %arg13[%dma_wait3A_363] : memref<320000xi32, #tpu.memory_space<vmem_shared>> -> memref<320000xi32, #tpu.memory_space<vmem_shared>>
    tpu.wait_indirect_dma semaphore(%arg14 : memref<!tpu.dma_semaphore, #tpu.memory_space<semaphore_mem>>) src(%dma_wait3A_364 : memref<320000xi32, #tpu.memory_space<vmem_shared>>) dst(%dma_wait3A_360 : memref<80xi32, #tpu.memory_space<vmem>>)
    %scan3A_365 = arith.constant 0 : i32
    %scan3A_366 = arith.constant 0 : i32
    %scan3A_367 = arith.constant 20 : i32
    %scan3A_368 = arith.addi %scan3A_366, %scan3A_367 : i32
    %scan3A_369 = arith.constant 1 : i32
    %scan3A_370 = scf.for %scan3A_439 = %scan3A_366 to %scan3A_368 step %scan3A_369 iter_args(%scan3A_440 = %scan3A_365) -> (i32)  : i32 {
      %mul3A_441 = arith.constant 16 : i32
      %mul3A_442 = arith.muli %scan3A_439, %mul3A_441 : i32
      %add3A_443 = arith.constant 320 : i32
      %add3A_444 = arith.addi %add3A_443, %mul3A_442 : i32
      %get3A = arith.index_cast %add3A_444 : i32 to index
      %get3A_445 = tpu.vector_load %arg8[%get3A] {strides = array<i32>} : memref<5120xi32, #tpu.memory_space<vmem>>, vector<16xi32>,
      %mul3A_446 = arith.constant 16 : i32
      %mul3A_447 = arith.muli %scan3A_439, %mul3A_446 : i32
      %get3A_448 = arith.index_cast %mul3A_447 : i32 to index
      %get3A_449 = tpu.vector_load %arg9[%get3A_448] {strides = array<i32>} : memref<320xi32, #tpu.memory_space<vmem>>, vector<16xi32>,
      %mul3A_450 = arith.constant 320 : i32
      %mul3A_451 = arith.muli %arg1, %mul3A_450 : i32
      %add3A_452 = arith.addi %mul3A_0, %mul3A_451 : i32
      %mul3A_453 = arith.constant 16 : i32
      %mul3A_454 = arith.muli %scan3A_439, %mul3A_453 : i32
      %add3A_455 = arith.addi %add3A_452, %mul3A_454 : i32
      %add3A_456 = vector.broadcast %add3A_455 : i32 to vector<16xi32>
      %add3A_457 = arith.addi %add3A_456, %iota3A : vector<16xi32>
      %ne3A = arith.constant 0 : i32
      %ne3A_458 = vector.broadcast %ne3A : i32 to vector<16xi32>
      %ne3A_459 = arith.cmpi ne, %get3A_445, %ne3A_458 : vector<16xi32>
      %select_n3A = arith.select %ne3A_459, %add3A_457, %get3A_449 : vector<16xi1>, vector<16xi32>
      %mul3A_460 = arith.constant 16 : i32
      %mul3A_461 = arith.muli %scan3A_439, %mul3A_460 : i32
      %swap3A = arith.index_cast %mul3A_461 : i32 to index
      %swap3A_462 = tpu.vector_load %arg9[%swap3A] {strides = array<i32>} : memref<320xi32, #tpu.memory_space<vmem>>, vector<16xi32>,
      tpu.vector_store %arg9[%swap3A], %select_n3A {strides = array<i32>} : memref<320xi32, #tpu.memory_space<vmem>>, vector<16xi32>,
      %scan3A_463 = arith.constant 0 : i32
      scf.yield %scan3A_463 : i32
    }
    %scan3A_371 = arith.constant 20 : i32
    %dma_start3A_372 = arith.constant 0 : i32
    %dma_start3A_373 = arith.constant 0 : i32
    %dma_start3A_374 = tpu.memref_slice %arg10[%dma_start3A_372, %dma_start3A_373] : memref<320x128xf32, #tpu.memory_space<vmem>> -> memref<80x128xf32, #tpu.memory_space<vmem>>
    %dma_start3A_375 = arith.constant 0 : i32
    %dma_start3A_376 = tpu.memref_slice %arg9[%dma_start3A_375] : memref<320xi32, #tpu.memory_space<vmem>> -> memref<80xi32, #tpu.memory_space<vmem>>
    %dma_start3A_377 = arith.constant 0 : i32
    %dma_start3A_378 = arith.constant 0 : i32
    %dma_start3A_379 = tpu.memref_slice %arg4[%dma_start3A_377, %dma_start3A_378] : memref<10240x128xf32, #tpu.memory_space<hbm>> -> memref<10240x128xf32, #tpu.memory_space<hbm>>
    tpu.enqueue_indirect_dma source(%dma_start3A_379 : memref<10240x128xf32, #tpu.memory_space<hbm>>) target(%dma_start3A_374 : memref<80x128xf32, #tpu.memory_space<vmem>>) offsets(%dma_start3A_376 : memref<80xi32, #tpu.memory_space<vmem>>) semaphore(%arg15 : memref<!tpu.dma_semaphore, #tpu.memory_space<semaphore_mem>>)
    %dma_start3A_380 = arith.constant 80 : i32
    %dma_start3A_381 = arith.constant 0 : i32
    %dma_start3A_382 = tpu.memref_slice %arg10[%dma_start3A_380, %dma_start3A_381] : memref<320x128xf32, #tpu.memory_space<vmem>> -> memref<80x128xf32, #tpu.memory_space<vmem>>
    %dma_start3A_383 = arith.constant 80 : i32
    %dma_start3A_384 = tpu.memref_slice %arg9[%dma_start3A_383] : memref<320xi32, #tpu.memory_space<vmem>> -> memref<80xi32, #tpu.memory_space<vmem>>
    %dma_start3A_385 = arith.constant 0 : i32
    %dma_start3A_386 = arith.constant 0 : i32
    %dma_start3A_387 = tpu.memref_slice %arg4[%dma_start3A_385, %dma_start3A_386] : memref<10240x128xf32, #tpu.memory_space<hbm>> -> memref<10240x128xf32, #tpu.memory_space<hbm>>
    tpu.enqueue_indirect_dma source(%dma_start3A_387 : memref<10240x128xf32, #tpu.memory_space<hbm>>) target(%dma_start3A_382 : memref<80x128xf32, #tpu.memory_space<vmem>>) offsets(%dma_start3A_384 : memref<80xi32, #tpu.memory_space<vmem>>) semaphore(%arg15 : memref<!tpu.dma_semaphore, #tpu.memory_space<semaphore_mem>>)
    %dma_start3A_388 = arith.constant 160 : i32
    %dma_start3A_389 = arith.constant 0 : i32
    %dma_start3A_390 = tpu.memref_slice %arg10[%dma_start3A_388, %dma_start3A_389] : memref<320x128xf32, #tpu.memory_space<vmem>> -> memref<80x128xf32, #tpu.memory_space<vmem>>
    %dma_start3A_391 = arith.constant 160 : i32
    %dma_start3A_392 = tpu.memref_slice %arg9[%dma_start3A_391] : memref<320xi32, #tpu.memory_space<vmem>> -> memref<80xi32, #tpu.memory_space<vmem>>
    %dma_start3A_393 = arith.constant 0 : i32
    %dma_start3A_394 = arith.constant 0 : i32
    %dma_start3A_395 = tpu.memref_slice %arg4[%dma_start3A_393, %dma_start3A_394] : memref<10240x128xf32, #tpu.memory_space<hbm>> -> memref<10240x128xf32, #tpu.memory_space<hbm>>
    tpu.enqueue_indirect_dma source(%dma_start3A_395 : memref<10240x128xf32, #tpu.memory_space<hbm>>) target(%dma_start3A_390 : memref<80x128xf32, #tpu.memory_space<vmem>>) offsets(%dma_start3A_392 : memref<80xi32, #tpu.memory_space<vmem>>) semaphore(%arg15 : memref<!tpu.dma_semaphore, #tpu.memory_space<semaphore_mem>>)
    %dma_start3A_396 = arith.constant 240 : i32
    %dma_start3A_397 = arith.constant 0 : i32
    %dma_start3A_398 = tpu.memref_slice %arg10[%dma_start3A_396, %dma_start3A_397] : memref<320x128xf32, #tpu.memory_space<vmem>> -> memref<80x128xf32, #tpu.memory_space<vmem>>
    %dma_start3A_399 = arith.constant 240 : i32
    %dma_start3A_400 = tpu.memref_slice %arg9[%dma_start3A_399] : memref<320xi32, #tpu.memory_space<vmem>> -> memref<80xi32, #tpu.memory_space<vmem>>
    %dma_start3A_401 = arith.constant 0 : i32
    %dma_start3A_402 = arith.constant 0 : i32
    %dma_start3A_403 = tpu.memref_slice %arg4[%dma_start3A_401, %dma_start3A_402] : memref<10240x128xf32, #tpu.memory_space<hbm>> -> memref<10240x128xf32, #tpu.memory_space<hbm>>
    tpu.enqueue_indirect_dma source(%dma_start3A_403 : memref<10240x128xf32, #tpu.memory_space<hbm>>) target(%dma_start3A_398 : memref<80x128xf32, #tpu.memory_space<vmem>>) offsets(%dma_start3A_400 : memref<80xi32, #tpu.memory_space<vmem>>) semaphore(%arg15 : memref<!tpu.dma_semaphore, #tpu.memory_space<semaphore_mem>>)
    %dma_wait3A_404 = arith.constant 0 : i32
    %dma_wait3A_405 = arith.constant 0 : i32
    %dma_wait3A_406 = tpu.memref_slice %arg10[%dma_wait3A_404, %dma_wait3A_405] : memref<320x128xf32, #tpu.memory_space<vmem>> -> memref<80x128xf32, #tpu.memory_space<vmem>>
    %dma_wait3A_407 = arith.constant 0 : i32
    %dma_wait3A_408 = tpu.memref_slice %arg9[%dma_wait3A_407] : memref<320xi32, #tpu.memory_space<vmem>> -> memref<80xi32, #tpu.memory_space<vmem>>
    %dma_wait3A_409 = arith.constant 0 : i32
    %dma_wait3A_410 = arith.constant 0 : i32
    %dma_wait3A_411 = tpu.memref_slice %arg4[%dma_wait3A_409, %dma_wait3A_410] : memref<10240x128xf32, #tpu.memory_space<hbm>> -> memref<10240x128xf32, #tpu.memory_space<hbm>>
    tpu.wait_indirect_dma semaphore(%arg15 : memref<!tpu.dma_semaphore, #tpu.memory_space<semaphore_mem>>) src(%dma_wait3A_411 : memref<10240x128xf32, #tpu.memory_space<hbm>>) dst(%dma_wait3A_406 : memref<80x128xf32, #tpu.memory_space<vmem>>)
    %dma_wait3A_412 = arith.constant 0 : i32
    %dma_wait3A_413 = arith.constant 0 : i32
    %dma_wait3A_414 = tpu.memref_slice %arg10[%dma_wait3A_412, %dma_wait3A_413] : memref<320x128xf32, #tpu.memory_space<vmem>> -> memref<80x128xf32, #tpu.memory_space<vmem>>
    %dma_wait3A_415 = arith.constant 0 : i32
    %dma_wait3A_416 = tpu.memref_slice %arg9[%dma_wait3A_415] : memref<320xi32, #tpu.memory_space<vmem>> -> memref<80xi32, #tpu.memory_space<vmem>>
    %dma_wait3A_417 = arith.constant 0 : i32
    %dma_wait3A_418 = arith.constant 0 : i32
    %dma_wait3A_419 = tpu.memref_slice %arg4[%dma_wait3A_417, %dma_wait3A_418] : memref<10240x128xf32, #tpu.memory_space<hbm>> -> memref<10240x128xf32, #tpu.memory_space<hbm>>
    tpu.wait_indirect_dma semaphore(%arg15 : memref<!tpu.dma_semaphore, #tpu.memory_space<semaphore_mem>>) src(%dma_wait3A_419 : memref<10240x128xf32, #tpu.memory_space<hbm>>) dst(%dma_wait3A_414 : memref<80x128xf32, #tpu.memory_space<vmem>>)
    %dma_wait3A_420 = arith.constant 0 : i32
    %dma_wait3A_421 = arith.constant 0 : i32
    %dma_wait3A_422 = tpu.memref_slice %arg10[%dma_wait3A_420, %dma_wait3A_421] : memref<320x128xf32, #tpu.memory_space<vmem>> -> memref<80x128xf32, #tpu.memory_space<vmem>>
    %dma_wait3A_423 = arith.constant 0 : i32
    %dma_wait3A_424 = tpu.memref_slice %arg9[%dma_wait3A_423] : memref<320xi32, #tpu.memory_space<vmem>> -> memref<80xi32, #tpu.memory_space<vmem>>
    %dma_wait3A_425 = arith.constant 0 : i32
    %dma_wait3A_426 = arith.constant 0 : i32
    %dma_wait3A_427 = tpu.memref_slice %arg4[%dma_wait3A_425, %dma_wait3A_426] : memref<10240x128xf32, #tpu.memory_space<hbm>> -> memref<10240x128xf32, #tpu.memory_space<hbm>>
    tpu.wait_indirect_dma semaphore(%arg15 : memref<!tpu.dma_semaphore, #tpu.memory_space<semaphore_mem>>) src(%dma_wait3A_427 : memref<10240x128xf32, #tpu.memory_space<hbm>>) dst(%dma_wait3A_422 : memref<80x128xf32, #tpu.memory_space<vmem>>)
    %dma_wait3A_428 = arith.constant 0 : i32
    %dma_wait3A_429 = arith.constant 0 : i32
    %dma_wait3A_430 = tpu.memref_slice %arg10[%dma_wait3A_428, %dma_wait3A_429] : memref<320x128xf32, #tpu.memory_space<vmem>> -> memref<80x128xf32, #tpu.memory_space<vmem>>
    %dma_wait3A_431 = arith.constant 0 : i32
    %dma_wait3A_432 = tpu.memref_slice %arg9[%dma_wait3A_431] : memref<320xi32, #tpu.memory_space<vmem>> -> memref<80xi32, #tpu.memory_space<vmem>>
    %dma_wait3A_433 = arith.constant 0 : i32
    %dma_wait3A_434 = arith.constant 0 : i32
    %dma_wait3A_435 = tpu.memref_slice %arg4[%dma_wait3A_433, %dma_wait3A_434] : memref<10240x128xf32, #tpu.memory_space<hbm>> -> memref<10240x128xf32, #tpu.memory_space<hbm>>
    tpu.wait_indirect_dma semaphore(%arg15 : memref<!tpu.dma_semaphore, #tpu.memory_space<semaphore_mem>>) src(%dma_wait3A_435 : memref<10240x128xf32, #tpu.memory_space<hbm>>) dst(%dma_wait3A_430 : memref<80x128xf32, #tpu.memory_space<vmem>>)
    %mul3A_436 = arith.constant 320 : i32
    %mul3A_437 = arith.muli %arg1, %mul3A_436 : i32
    %add3A_438 = arith.addi %mul3A_0, %mul3A_437 : i32
    "tpu.region"() ({
      %run_scoped3A = tpu.sem_alloc : memref<!tpu.dma_semaphore, #tpu.memory_space<semaphore_mem>>
      %dma_start3A_439 = arith.constant 0 : i32
      %dma_start3A_440 = tpu.memref_slice %arg5[%add3A_438, %dma_start3A_439] : memref<10240x128xf32, #tpu.memory_space<hbm>> -> memref<320x128xf32, #tpu.memory_space<hbm>>
      %dma_start3A_441 = arith.constant 0 : i32
      %dma_start3A_442 = tpu.memref_slice %arg5[%add3A_438, %dma_start3A_441] : memref<10240x128xf32, #tpu.memory_space<hbm>> -> memref<320x128xf32, #tpu.memory_space<hbm>>
      tpu.enqueue_dma source(%arg10 : memref<320x128xf32, #tpu.memory_space<vmem>>) target(%dma_start3A_442 : memref<320x128xf32, #tpu.memory_space<hbm>>) target_semaphore(%run_scoped3A : memref<!tpu.dma_semaphore, #tpu.memory_space<semaphore_mem>>)
      %dma_wait3A_443 = arith.constant 0 : i32
      %dma_wait3A_444 = tpu.memref_slice %arg5[%add3A_438, %dma_wait3A_443] : memref<10240x128xf32, #tpu.memory_space<hbm>> -> memref<320x128xf32, #tpu.memory_space<hbm>>
      %dma_wait3A_445 = arith.constant 0 : i32
      %dma_wait3A_446 = tpu.memref_slice %arg5[%add3A_438, %dma_wait3A_445] : memref<10240x128xf32, #tpu.memory_space<hbm>> -> memref<320x128xf32, #tpu.memory_space<hbm>>
      tpu.wait_dma2 semaphore(%run_scoped3A : memref<!tpu.dma_semaphore, #tpu.memory_space<semaphore_mem>>) src(%arg10 : memref<320x128xf32, #tpu.memory_space<vmem>>) dst(%dma_wait3A_446 : memref<320x128xf32, #tpu.memory_space<hbm>>)
      tpu.yield
    }) : () -> ()
    return
  }
}

#map = affine_map<(d0, d1) -> (0, 0)>
#map1 = affine_map<(d0, d1) -> (0)>
module attributes {stable_mosaic.version = 14 : i64} {
  func.func @_edge_gather(%arg0: i32, %arg1: i32, %arg2: memref<10240x128xf32, #tpu.memory_space<hbm>>, %arg3: memref<320000xi32, #tpu.memory_space<hbm>>, %arg4: memref<320000x128xf32, #tpu.memory_space<hbm>>, %arg5: memref<10000xi32, #tpu.memory_space<vmem>>, %arg6: memref<80x128xf32, #tpu.memory_space<vmem>>, %arg7: memref<80x128xf32, #tpu.memory_space<vmem>>, %arg8: memref<10240x128xf32, #tpu.memory_space<vmem_shared>>, %arg9: memref<!tpu.dma_semaphore, #tpu.memory_space<semaphore_mem>>, %arg10: memref<!tpu.dma_semaphore, #tpu.memory_space<semaphore_mem>>, %arg11: memref<!tpu.dma_semaphore, #tpu.memory_space<semaphore_mem>>, %arg12: memref<!tpu.dma_semaphore, #tpu.memory_space<semaphore_mem>>, %arg13: memref<!tpu.dma_semaphore, #tpu.memory_space<semaphore_mem>>) attributes {dimension_semantics = [#tpu.dimension_semantics<core_parallel>, #tpu.dimension_semantics<subcore_parallel>], iteration_bounds = array<i64: 2, 16>, scalar_prefetch = 0 : i64, scratch_operands = 9 : i64, tpu.core_type = #tpu.core_type<sc_vector_subcore>, window_params = [{transform_indices = #map}, {transform_indices = #map1}, {transform_indices = #map}]} {
    %mul3A = arith.constant 2 : i32
    %mul3A_0 = arith.muli %arg1, %mul3A : i32
    %add3A = arith.addi %mul3A_0, %arg0 : i32
    %mul3A_1 = arith.constant 10000 : i32
    %mul3A_2 = arith.muli %add3A, %mul3A_1 : i32
    %dma_start3A = tpu.memref_slice %arg3[%mul3A_2] : memref<320000xi32, #tpu.memory_space<hbm>> -> memref<10000xi32, #tpu.memory_space<hbm>>
    %dma_start3A_3 = tpu.memref_slice %arg3[%mul3A_2] : memref<320000xi32, #tpu.memory_space<hbm>> -> memref<10000xi32, #tpu.memory_space<hbm>>
    tpu.enqueue_dma source(%dma_start3A_3 : memref<10000xi32, #tpu.memory_space<hbm>>) target(%arg5 : memref<10000xi32, #tpu.memory_space<vmem>>) target_semaphore(%arg9 : memref<!tpu.dma_semaphore, #tpu.memory_space<semaphore_mem>>)
    %mul3A_4 = arith.constant 640 : i32
    %mul3A_5 = arith.muli %arg1, %mul3A_4 : i32
    %mul3A_6 = arith.constant 640 : i32
    %mul3A_7 = arith.muli %arg1, %mul3A_6 : i32
    "tpu.region"() ({
      %run_scoped3A = tpu.sem_alloc : memref<!tpu.dma_semaphore, #tpu.memory_space<semaphore_mem>>
      %dma_start3A_39 = arith.constant 0 : i32
      %dma_start3A_40 = tpu.memref_slice %arg8[%mul3A_7, %dma_start3A_39] : memref<10240x128xf32, #tpu.memory_space<vmem_shared>> -> memref<640x128xf32, #tpu.memory_space<vmem_shared>>
      %dma_start3A_41 = arith.constant 0 : i32
      %dma_start3A_42 = tpu.memref_slice %arg2[%mul3A_5, %dma_start3A_41] : memref<10240x128xf32, #tpu.memory_space<hbm>> -> memref<640x128xf32, #tpu.memory_space<hbm>>
      tpu.enqueue_dma source(%dma_start3A_42 : memref<640x128xf32, #tpu.memory_space<hbm>>) target(%dma_start3A_40 : memref<640x128xf32, #tpu.memory_space<vmem_shared>>) target_semaphore(%run_scoped3A : memref<!tpu.dma_semaphore, #tpu.memory_space<semaphore_mem>>)
      %dma_wait3A_43 = arith.constant 0 : i32
      %dma_wait3A_44 = tpu.memref_slice %arg8[%mul3A_7, %dma_wait3A_43] : memref<10240x128xf32, #tpu.memory_space<vmem_shared>> -> memref<640x128xf32, #tpu.memory_space<vmem_shared>>
      %dma_wait3A_45 = arith.constant 0 : i32
      %dma_wait3A_46 = tpu.memref_slice %arg2[%mul3A_5, %dma_wait3A_45] : memref<10240x128xf32, #tpu.memory_space<hbm>> -> memref<640x128xf32, #tpu.memory_space<hbm>>
      tpu.wait_dma2 semaphore(%run_scoped3A : memref<!tpu.dma_semaphore, #tpu.memory_space<semaphore_mem>>) src(%dma_wait3A_46 : memref<640x128xf32, #tpu.memory_space<hbm>>) dst(%dma_wait3A_44 : memref<640x128xf32, #tpu.memory_space<vmem_shared>>)
      tpu.yield
    }) : () -> ()
    %dma_wait3A = tpu.memref_slice %arg3[%mul3A_2] : memref<320000xi32, #tpu.memory_space<hbm>> -> memref<10000xi32, #tpu.memory_space<hbm>>
    %dma_wait3A_8 = tpu.memref_slice %arg3[%mul3A_2] : memref<320000xi32, #tpu.memory_space<hbm>> -> memref<10000xi32, #tpu.memory_space<hbm>>
    tpu.wait_dma2 semaphore(%arg9 : memref<!tpu.dma_semaphore, #tpu.memory_space<semaphore_mem>>) src(%dma_wait3A_8 : memref<10000xi32, #tpu.memory_space<hbm>>) dst(%arg5 : memref<10000xi32, #tpu.memory_space<vmem>>)
    %barrier3A = arith.constant 0 : index
    tpu.barrier barrier_id(%barrier3A)
    %dma_start3A_9 = arith.constant 0 : i32
    %dma_start3A_10 = tpu.memref_slice %arg5[%dma_start3A_9] : memref<10000xi32, #tpu.memory_space<vmem>> -> memref<80xi32, #tpu.memory_space<vmem>>
    %dma_start3A_11 = arith.constant 0 : i32
    %dma_start3A_12 = arith.constant 0 : i32
    %dma_start3A_13 = tpu.memref_slice %arg8[%dma_start3A_11, %dma_start3A_12] : memref<10240x128xf32, #tpu.memory_space<vmem_shared>> -> memref<10240x128xf32, #tpu.memory_space<vmem_shared>>
    tpu.enqueue_indirect_dma source(%dma_start3A_13 : memref<10240x128xf32, #tpu.memory_space<vmem_shared>>) target(%arg6 : memref<80x128xf32, #tpu.memory_space<vmem>>) offsets(%dma_start3A_10 : memref<80xi32, #tpu.memory_space<vmem>>) semaphore(%arg10 : memref<!tpu.dma_semaphore, #tpu.memory_space<semaphore_mem>>)
    %scan3A = arith.constant 0 : i32
    %scan3A_14 = arith.constant 0 : i32
    %scan3A_15 = arith.constant 62 : i32
    %scan3A_16 = arith.addi %scan3A_14, %scan3A_15 : i32
    %scan3A_17 = arith.constant 1 : i32
    %scan3A_18 = scf.for %scan3A_39 = %scan3A_14 to %scan3A_16 step %scan3A_17 iter_args(%scan3A_40 = %scan3A) -> (i32)  : i32 {
      %mul3A_41 = arith.constant 2 : i32
      %mul3A_42 = arith.muli %mul3A_41, %scan3A_39 : i32
      %gt3A = arith.constant 0 : i32
      %gt3A_43 = arith.cmpi sgt, %scan3A_39, %gt3A : i32
      %convert_element_type3A = arith.extui %gt3A_43 : i1 to i32
      %cond3A = arith.constant 0 : i32
      %cond3A_44 = arith.cmpi ne, %convert_element_type3A, %cond3A : i32
      scf.if %cond3A_44 {
        %dma_wait3A_92 = arith.constant 0 : i32
        %dma_wait3A_93 = tpu.memref_slice %arg4[%mul3A_2, %dma_wait3A_92] : memref<320000x128xf32, #tpu.memory_space<hbm>> -> memref<80x128xf32, #tpu.memory_space<hbm>>
        %dma_wait3A_94 = arith.constant 0 : i32
        %dma_wait3A_95 = tpu.memref_slice %arg4[%mul3A_2, %dma_wait3A_94] : memref<320000x128xf32, #tpu.memory_space<hbm>> -> memref<80x128xf32, #tpu.memory_space<hbm>>
        tpu.wait_dma2 semaphore(%arg13 : memref<!tpu.dma_semaphore, #tpu.memory_space<semaphore_mem>>) src(%arg7 : memref<80x128xf32, #tpu.memory_space<vmem>>) dst(%dma_wait3A_95 : memref<80x128xf32, #tpu.memory_space<hbm>>)
      } else {
      }
      %add3A_45 = arith.constant 1 : i32
      %add3A_46 = arith.addi %mul3A_42, %add3A_45 : i32
      %mul3A_47 = arith.constant 80 : i32
      %mul3A_48 = arith.muli %add3A_46, %mul3A_47 : i32
      %dma_start3A_49 = tpu.memref_slice %arg5[%mul3A_48] : memref<10000xi32, #tpu.memory_space<vmem>> -> memref<80xi32, #tpu.memory_space<vmem>>
      %dma_start3A_50 = arith.constant 0 : i32
      %dma_start3A_51 = arith.constant 0 : i32
      %dma_start3A_52 = tpu.memref_slice %arg8[%dma_start3A_50, %dma_start3A_51] : memref<10240x128xf32, #tpu.memory_space<vmem_shared>> -> memref<10240x128xf32, #tpu.memory_space<vmem_shared>>
      tpu.enqueue_indirect_dma source(%dma_start3A_52 : memref<10240x128xf32, #tpu.memory_space<vmem_shared>>) target(%arg7 : memref<80x128xf32, #tpu.memory_space<vmem>>) offsets(%dma_start3A_49 : memref<80xi32, #tpu.memory_space<vmem>>) semaphore(%arg11 : memref<!tpu.dma_semaphore, #tpu.memory_space<semaphore_mem>>)
      %dma_wait3A_53 = arith.constant 0 : i32
      %dma_wait3A_54 = tpu.memref_slice %arg5[%dma_wait3A_53] : memref<10000xi32, #tpu.memory_space<vmem>> -> memref<80xi32, #tpu.memory_space<vmem>>
      %dma_wait3A_55 = arith.constant 0 : i32
      %dma_wait3A_56 = arith.constant 0 : i32
      %dma_wait3A_57 = tpu.memref_slice %arg8[%dma_wait3A_55, %dma_wait3A_56] : memref<10240x128xf32, #tpu.memory_space<vmem_shared>> -> memref<10240x128xf32, #tpu.memory_space<vmem_shared>>
      tpu.wait_indirect_dma semaphore(%arg10 : memref<!tpu.dma_semaphore, #tpu.memory_space<semaphore_mem>>) src(%dma_wait3A_57 : memref<10240x128xf32, #tpu.memory_space<vmem_shared>>) dst(%arg6 : memref<80x128xf32, #tpu.memory_space<vmem>>)
      %mul3A_58 = arith.constant 80 : i32
      %mul3A_59 = arith.muli %mul3A_42, %mul3A_58 : i32
      %add3A_60 = arith.addi %mul3A_2, %mul3A_59 : i32
      %dma_start3A_61 = arith.constant 0 : i32
      %dma_start3A_62 = tpu.memref_slice %arg4[%add3A_60, %dma_start3A_61] : memref<320000x128xf32, #tpu.memory_space<hbm>> -> memref<80x128xf32, #tpu.memory_space<hbm>>
      %dma_start3A_63 = arith.constant 0 : i32
      %dma_start3A_64 = tpu.memref_slice %arg4[%add3A_60, %dma_start3A_63] : memref<320000x128xf32, #tpu.memory_space<hbm>> -> memref<80x128xf32, #tpu.memory_space<hbm>>
      tpu.enqueue_dma source(%arg6 : memref<80x128xf32, #tpu.memory_space<vmem>>) target(%dma_start3A_64 : memref<80x128xf32, #tpu.memory_space<hbm>>) target_semaphore(%arg12 : memref<!tpu.dma_semaphore, #tpu.memory_space<semaphore_mem>>)
      %dma_wait3A_65 = arith.constant 0 : i32
      %dma_wait3A_66 = tpu.memref_slice %arg4[%mul3A_2, %dma_wait3A_65] : memref<320000x128xf32, #tpu.memory_space<hbm>> -> memref<80x128xf32, #tpu.memory_space<hbm>>
      %dma_wait3A_67 = arith.constant 0 : i32
      %dma_wait3A_68 = tpu.memref_slice %arg4[%mul3A_2, %dma_wait3A_67] : memref<320000x128xf32, #tpu.memory_space<hbm>> -> memref<80x128xf32, #tpu.memory_space<hbm>>
      tpu.wait_dma2 semaphore(%arg12 : memref<!tpu.dma_semaphore, #tpu.memory_space<semaphore_mem>>) src(%arg6 : memref<80x128xf32, #tpu.memory_space<vmem>>) dst(%dma_wait3A_68 : memref<80x128xf32, #tpu.memory_space<hbm>>)
      %add3A_69 = arith.constant 2 : i32
      %add3A_70 = arith.addi %mul3A_42, %add3A_69 : i32
      %mul3A_71 = arith.constant 80 : i32
      %mul3A_72 = arith.muli %add3A_70, %mul3A_71 : i32
      %dma_start3A_73 = tpu.memref_slice %arg5[%mul3A_72] : memref<10000xi32, #tpu.memory_space<vmem>> -> memref<80xi32, #tpu.memory_space<vmem>>
      %dma_start3A_74 = arith.constant 0 : i32
      %dma_start3A_75 = arith.constant 0 : i32
      %dma_start3A_76 = tpu.memref_slice %arg8[%dma_start3A_74, %dma_start3A_75] : memref<10240x128xf32, #tpu.memory_space<vmem_shared>> -> memref<10240x128xf32, #tpu.memory_space<vmem_shared>>
      tpu.enqueue_indirect_dma source(%dma_start3A_76 : memref<10240x128xf32, #tpu.memory_space<vmem_shared>>) target(%arg6 : memref<80x128xf32, #tpu.memory_space<vmem>>) offsets(%dma_start3A_73 : memref<80xi32, #tpu.memory_space<vmem>>) semaphore(%arg10 : memref<!tpu.dma_semaphore, #tpu.memory_space<semaphore_mem>>)
      %dma_wait3A_77 = arith.constant 0 : i32
      %dma_wait3A_78 = tpu.memref_slice %arg5[%dma_wait3A_77] : memref<10000xi32, #tpu.memory_space<vmem>> -> memref<80xi32, #tpu.memory_space<vmem>>
      %dma_wait3A_79 = arith.constant 0 : i32
      %dma_wait3A_80 = arith.constant 0 : i32
      %dma_wait3A_81 = tpu.memref_slice %arg8[%dma_wait3A_79, %dma_wait3A_80] : memref<10240x128xf32, #tpu.memory_space<vmem_shared>> -> memref<10240x128xf32, #tpu.memory_space<vmem_shared>>
      tpu.wait_indirect_dma semaphore(%arg11 : memref<!tpu.dma_semaphore, #tpu.memory_space<semaphore_mem>>) src(%dma_wait3A_81 : memref<10240x128xf32, #tpu.memory_space<vmem_shared>>) dst(%arg7 : memref<80x128xf32, #tpu.memory_space<vmem>>)
      %add3A_82 = arith.constant 1 : i32
      %add3A_83 = arith.addi %mul3A_42, %add3A_82 : i32
      %mul3A_84 = arith.constant 80 : i32
      %mul3A_85 = arith.muli %add3A_83, %mul3A_84 : i32
      %add3A_86 = arith.addi %mul3A_2, %mul3A_85 : i32
      %dma_start3A_87 = arith.constant 0 : i32
      %dma_start3A_88 = tpu.memref_slice %arg4[%add3A_86, %dma_start3A_87] : memref<320000x128xf32, #tpu.memory_space<hbm>> -> memref<80x128xf32, #tpu.memory_space<hbm>>
      %dma_start3A_89 = arith.constant 0 : i32
      %dma_start3A_90 = tpu.memref_slice %arg4[%add3A_86, %dma_start3A_89] : memref<320000x128xf32, #tpu.memory_space<hbm>> -> memref<80x128xf32, #tpu.memory_space<hbm>>
      tpu.enqueue_dma source(%arg7 : memref<80x128xf32, #tpu.memory_space<vmem>>) target(%dma_start3A_90 : memref<80x128xf32, #tpu.memory_space<hbm>>) target_semaphore(%arg13 : memref<!tpu.dma_semaphore, #tpu.memory_space<semaphore_mem>>)
      %scan3A_91 = arith.constant 0 : i32
      scf.yield %scan3A_91 : i32
    }
    %scan3A_19 = arith.constant 62 : i32
    %dma_wait3A_20 = arith.constant 0 : i32
    %dma_wait3A_21 = tpu.memref_slice %arg4[%mul3A_2, %dma_wait3A_20] : memref<320000x128xf32, #tpu.memory_space<hbm>> -> memref<80x128xf32, #tpu.memory_space<hbm>>
    %dma_wait3A_22 = arith.constant 0 : i32
    %dma_wait3A_23 = tpu.memref_slice %arg4[%mul3A_2, %dma_wait3A_22] : memref<320000x128xf32, #tpu.memory_space<hbm>> -> memref<80x128xf32, #tpu.memory_space<hbm>>
    tpu.wait_dma2 semaphore(%arg13 : memref<!tpu.dma_semaphore, #tpu.memory_space<semaphore_mem>>) src(%arg7 : memref<80x128xf32, #tpu.memory_space<vmem>>) dst(%dma_wait3A_23 : memref<80x128xf32, #tpu.memory_space<hbm>>)
    %dma_wait3A_24 = arith.constant 0 : i32
    %dma_wait3A_25 = tpu.memref_slice %arg5[%dma_wait3A_24] : memref<10000xi32, #tpu.memory_space<vmem>> -> memref<80xi32, #tpu.memory_space<vmem>>
    %dma_wait3A_26 = arith.constant 0 : i32
    %dma_wait3A_27 = arith.constant 0 : i32
    %dma_wait3A_28 = tpu.memref_slice %arg8[%dma_wait3A_26, %dma_wait3A_27] : memref<10240x128xf32, #tpu.memory_space<vmem_shared>> -> memref<10240x128xf32, #tpu.memory_space<vmem_shared>>
    tpu.wait_indirect_dma semaphore(%arg10 : memref<!tpu.dma_semaphore, #tpu.memory_space<semaphore_mem>>) src(%dma_wait3A_28 : memref<10240x128xf32, #tpu.memory_space<vmem_shared>>) dst(%arg6 : memref<80x128xf32, #tpu.memory_space<vmem>>)
    %add3A_29 = arith.constant 9920 : i32
    %add3A_30 = arith.addi %mul3A_2, %add3A_29 : i32
    %dma_start3A_31 = arith.constant 0 : i32
    %dma_start3A_32 = tpu.memref_slice %arg4[%add3A_30, %dma_start3A_31] : memref<320000x128xf32, #tpu.memory_space<hbm>> -> memref<80x128xf32, #tpu.memory_space<hbm>>
    %dma_start3A_33 = arith.constant 0 : i32
    %dma_start3A_34 = tpu.memref_slice %arg4[%add3A_30, %dma_start3A_33] : memref<320000x128xf32, #tpu.memory_space<hbm>> -> memref<80x128xf32, #tpu.memory_space<hbm>>
    tpu.enqueue_dma source(%arg6 : memref<80x128xf32, #tpu.memory_space<vmem>>) target(%dma_start3A_34 : memref<80x128xf32, #tpu.memory_space<hbm>>) target_semaphore(%arg12 : memref<!tpu.dma_semaphore, #tpu.memory_space<semaphore_mem>>)
    %dma_wait3A_35 = arith.constant 0 : i32
    %dma_wait3A_36 = tpu.memref_slice %arg4[%mul3A_2, %dma_wait3A_35] : memref<320000x128xf32, #tpu.memory_space<hbm>> -> memref<80x128xf32, #tpu.memory_space<hbm>>
    %dma_wait3A_37 = arith.constant 0 : i32
    %dma_wait3A_38 = tpu.memref_slice %arg4[%mul3A_2, %dma_wait3A_37] : memref<320000x128xf32, #tpu.memory_space<hbm>> -> memref<80x128xf32, #tpu.memory_space<hbm>>
    tpu.wait_dma2 semaphore(%arg12 : memref<!tpu.dma_semaphore, #tpu.memory_space<semaphore_mem>>) src(%arg6 : memref<80x128xf32, #tpu.memory_space<vmem>>) dst(%dma_wait3A_38 : memref<80x128xf32, #tpu.memory_space<hbm>>)
    return
  }
}

module attributes {stable_mosaic.version = 14 : i64} {
  func.func @_split_body(%arg0: memref<2x320000xi32, #tpu.memory_space<vmem>>, %arg1: memref<320000xi32, #tpu.memory_space<vmem>>, %arg2: memref<320000xi32, #tpu.memory_space<vmem>>) attributes {dimension_semantics = [], scalar_prefetch = 0 : i64, scratch_operands = 0 : i64, tpu.core_type = #tpu.core_type<tc>} {
    %get3A = arith.constant 0 : index
    %get3A_0 = arith.constant 0 : index
    %get3A_1 = vector.load %arg0[%get3A, %get3A_0] : memref<2x320000xi32, #tpu.memory_space<vmem>>, vector<2x320000xi32>
    %slice3A = vector.extract_strided_slice %get3A_1 {offsets = [0, 0], sizes = [1, 320000], strides = [1, 1]} : vector<2x320000xi32> to vector<1x320000xi32>
    %squeeze3A = vector.shape_cast %slice3A : vector<1x320000xi32> to vector<320000xi32>
    %swap3A = arith.constant 0 : index
    %swap3A_2 = vector.load %arg1[%swap3A] : memref<320000xi32, #tpu.memory_space<vmem>>, vector<320000xi32>
    tpu.vector_store %arg1[%swap3A], %squeeze3A {strides = array<i32>} : memref<320000xi32, #tpu.memory_space<vmem>>, vector<320000xi32>,
    %slice3A_3 = vector.extract_strided_slice %get3A_1 {offsets = [1, 0], sizes = [1, 320000], strides = [1, 1]} : vector<2x320000xi32> to vector<1x320000xi32>
    %squeeze3A_4 = vector.shape_cast %slice3A_3 : vector<1x320000xi32> to vector<320000xi32>
    %swap3A_5 = arith.constant 0 : index
    %swap3A_6 = vector.load %arg2[%swap3A_5] : memref<320000xi32, #tpu.memory_space<vmem>>, vector<320000xi32>
    tpu.vector_store %arg2[%swap3A_5], %squeeze3A_4 {strides = array<i32>} : memref<320000xi32, #tpu.memory_space<vmem>>, vector<320000xi32>,
    return
  }
}

module attributes {stable_mosaic.version = 14 : i64} {
  func.func @_dense_body(%arg0: i32, %arg1: memref<2560x128xf32, #tpu.memory_space<vmem>>, %arg2: memref<2560x128xf32, #tpu.memory_space<vmem>>, %arg3: memref<128x64xf32, #tpu.memory_space<vmem>>, %arg4: memref<1x64xf32, #tpu.memory_space<vmem>>, %arg5: memref<128x64xf32, #tpu.memory_space<vmem>>, %arg6: memref<1x64xf32, #tpu.memory_space<vmem>>, %arg7: memref<128x64xf32, #tpu.memory_space<vmem>>, %arg8: memref<1x64xf32, #tpu.memory_space<vmem>>, %arg9: memref<64x64xf32, #tpu.memory_space<vmem>>, %arg10: memref<1x64xf32, #tpu.memory_space<vmem>>, %arg11: memref<1x64xf32, #tpu.memory_space<vmem>>, %arg12: memref<1x64xf32, #tpu.memory_space<vmem>>, %arg13: memref<64x64xf32, #tpu.memory_space<vmem>>, %arg14: memref<1x64xf32, #tpu.memory_space<vmem>>, %arg15: memref<64x128xf32, #tpu.memory_space<vmem>>, %arg16: memref<2560x128xf32, #tpu.memory_space<vmem>>) attributes {dimension_semantics = [#tpu.dimension_semantics<arbitrary>], iteration_bounds = array<i64: 4>, scalar_prefetch = 0 : i64, scratch_operands = 0 : i64, tpu.core_type = #tpu.core_type<tc>, window_params = [{transform_indices = @transform_0, window_bounds = array<i64: 2560, 128>}, {transform_indices = @transform_1, window_bounds = array<i64: 2560, 128>}, {pipeline_mode = #tpu.pipeline_mode<synchronous>, transform_indices = @transform_2, window_bounds = array<i64: 128, 64>}, {pipeline_mode = #tpu.pipeline_mode<synchronous>, transform_indices = @transform_3, window_bounds = array<i64: 1, 64>}, {pipeline_mode = #tpu.pipeline_mode<synchronous>, transform_indices = @transform_4, window_bounds = array<i64: 128, 64>}, {pipeline_mode = #tpu.pipeline_mode<synchronous>, transform_indices = @transform_5, window_bounds = array<i64: 1, 64>}, {pipeline_mode = #tpu.pipeline_mode<synchronous>, transform_indices = @transform_6, window_bounds = array<i64: 128, 64>}, {pipeline_mode = #tpu.pipeline_mode<synchronous>, transform_indices = @transform_7, window_bounds = array<i64: 1, 64>}, {pipeline_mode = #tpu.pipeline_mode<synchronous>, transform_indices = @transform_8, window_bounds = array<i64: 64, 64>}, {pipeline_mode = #tpu.pipeline_mode<synchronous>, transform_indices = @transform_9, window_bounds = array<i64: 1, 64>}, {pipeline_mode = #tpu.pipeline_mode<synchronous>, transform_indices = @transform_10, window_bounds = array<i64: 1, 64>}, {pipeline_mode = #tpu.pipeline_mode<synchronous>, transform_indices = @transform_11, window_bounds = array<i64: 1, 64>}, {pipeline_mode = #tpu.pipeline_mode<synchronous>, transform_indices = @transform_12, window_bounds = array<i64: 64, 64>}, {pipeline_mode = #tpu.pipeline_mode<synchronous>, transform_indices = @transform_13, window_bounds = array<i64: 1, 64>}, {pipeline_mode = #tpu.pipeline_mode<synchronous>, transform_indices = @transform_14, window_bounds = array<i64: 64, 128>}, {transform_indices = @transform_15, window_bounds = array<i64: 2560, 128>}]} {
    %get3A = arith.constant 0 : index
    %get3A_0 = arith.constant 0 : index
    %get3A_1 = vector.load %arg2[%get3A, %get3A_0] : memref<2560x128xf32, #tpu.memory_space<vmem>>, vector<2560x128xf32>
    %get3A_2 = arith.constant 0 : index
    %get3A_3 = arith.constant 0 : index
    %get3A_4 = vector.load %arg1[%get3A_2, %get3A_3] : memref<2560x128xf32, #tpu.memory_space<vmem>>, vector<2560x128xf32>
    %get3A_5 = arith.constant 0 : index
    %get3A_6 = arith.constant 0 : index
    %get3A_7 = vector.load %arg3[%get3A_5, %get3A_6] : memref<128x64xf32, #tpu.memory_space<vmem>>, vector<128x64xf32>
    %dot_general3A = arith.constant dense<0.000000e+00> : vector<2560x64xf32>
    %dot_general3A_8 = tpu.matmul %get3A_1, %get3A_7, %dot_general3A {dimension_numbers = #tpu.dot_dimension_numbers<[1], [0], [0], [1], [0, 0, 1, 1], [], []>, transpose_lhs_hint = false} : vector<2560x128xf32>, vector<128x64xf32>, vector<2560x64xf32> -> vector<2560x64xf32>
    %get3A_9 = arith.constant 0 : index
    %get3A_10 = arith.constant 0 : index
    %get3A_11 = vector.load %arg4[%get3A_9, %get3A_10] : memref<1x64xf32, #tpu.memory_space<vmem>>, vector<1x64xf32>
    %add3A = vector.broadcast %get3A_11 : vector<1x64xf32> to vector<2560x64xf32>
    %add3A_12 = arith.addf %dot_general3A_8, %add3A : vector<2560x64xf32>
    %get3A_13 = arith.constant 0 : index
    %get3A_14 = arith.constant 0 : index
    %get3A_15 = vector.load %arg5[%get3A_13, %get3A_14] : memref<128x64xf32, #tpu.memory_space<vmem>>, vector<128x64xf32>
    %dot_general3A_16 = arith.constant dense<0.000000e+00> : vector<2560x64xf32>
    %dot_general3A_17 = tpu.matmul %get3A_4, %get3A_15, %dot_general3A_16 {dimension_numbers = #tpu.dot_dimension_numbers<[1], [0], [0], [1], [0, 0, 1, 1], [], []>, transpose_lhs_hint = false} : vector<2560x128xf32>, vector<128x64xf32>, vector<2560x64xf32> -> vector<2560x64xf32>
    %get3A_18 = arith.constant 0 : index
    %get3A_19 = arith.constant 0 : index
    %get3A_20 = vector.load %arg6[%get3A_18, %get3A_19] : memref<1x64xf32, #tpu.memory_space<vmem>>, vector<1x64xf32>
    %add3A_21 = vector.broadcast %get3A_20 : vector<1x64xf32> to vector<2560x64xf32>
    %add3A_22 = arith.addf %dot_general3A_17, %add3A_21 : vector<2560x64xf32>
    %get3A_23 = arith.constant 0 : index
    %get3A_24 = arith.constant 0 : index
    %get3A_25 = vector.load %arg7[%get3A_23, %get3A_24] : memref<128x64xf32, #tpu.memory_space<vmem>>, vector<128x64xf32>
    %dot_general3A_26 = arith.constant dense<0.000000e+00> : vector<2560x64xf32>
    %dot_general3A_27 = tpu.matmul %get3A_4, %get3A_25, %dot_general3A_26 {dimension_numbers = #tpu.dot_dimension_numbers<[1], [0], [0], [1], [0, 0, 1, 1], [], []>, transpose_lhs_hint = false} : vector<2560x128xf32>, vector<128x64xf32>, vector<2560x64xf32> -> vector<2560x64xf32>
    %get3A_28 = arith.constant 0 : index
    %get3A_29 = arith.constant 0 : index
    %get3A_30 = vector.load %arg8[%get3A_28, %get3A_29] : memref<1x64xf32, #tpu.memory_space<vmem>>, vector<1x64xf32>
    %add3A_31 = vector.broadcast %get3A_30 : vector<1x64xf32> to vector<2560x64xf32>
    %add3A_32 = arith.addf %dot_general3A_27, %add3A_31 : vector<2560x64xf32>
    %mul3A = arith.mulf %add3A_12, %add3A_22 : vector<2560x64xf32>
    %mul3A_33 = arith.constant 1.250000e-01 : f32
    %mul3A_34 = vector.broadcast %mul3A_33 : f32 to vector<2560x64xf32>
    %mul3A_35 = arith.mulf %mul3A, %mul3A_34 : vector<2560x64xf32>
    %reduce_max3A = arith.constant dense<0xFF800000> : vector<2560xf32>
    %reduce_max3A_36 = vector.multi_reduction <maximumf>, %mul3A_35, %reduce_max3A [1] : vector<2560x64xf32> to vector<2560xf32>
    %broadcast_in_dim3A = vector.shape_cast %reduce_max3A_36 : vector<2560xf32> to vector<2560x1xf32>
    %sub3A = vector.broadcast %broadcast_in_dim3A : vector<2560x1xf32> to vector<2560x64xf32>
    %sub3A_37 = arith.subf %mul3A_35, %sub3A : vector<2560x64xf32>
    %exp3A = math.exp %sub3A_37 : vector<2560x64xf32>
    %reduce_sum3A = arith.constant dense<0.000000e+00> : vector<2560xf32>
    %reduce_sum3A_38 = vector.multi_reduction <add>, %exp3A, %reduce_sum3A [1] : vector<2560x64xf32> to vector<2560xf32>
    %broadcast_in_dim3A_39 = vector.shape_cast %reduce_sum3A_38 : vector<2560xf32> to vector<2560x1xf32>
    %div3A = vector.broadcast %broadcast_in_dim3A_39 : vector<2560x1xf32> to vector<2560x64xf32>
    %div3A_40 = arith.divf %exp3A, %div3A : vector<2560x64xf32>
    %mul3A_41 = arith.mulf %div3A_40, %add3A_32 : vector<2560x64xf32>
    %reduce_sum3A_42 = arith.constant dense<0.000000e+00> : vector<2560xf32>
    %reduce_sum3A_43 = vector.multi_reduction <add>, %mul3A_41, %reduce_sum3A_42 [1] : vector<2560x64xf32> to vector<2560xf32>
    %broadcast_in_dim3A_44 = vector.shape_cast %reduce_sum3A_43 : vector<2560xf32> to vector<2560x1xf32>
    %div3A_45 = arith.constant 6.400000e+01 : f32
    %div3A_46 = vector.broadcast %div3A_45 : f32 to vector<2560x1xf32>
    %div3A_47 = arith.divf %broadcast_in_dim3A_44, %div3A_46 : vector<2560x1xf32>
    %sub3A_48 = vector.broadcast %div3A_47 : vector<2560x1xf32> to vector<2560x64xf32>
    %sub3A_49 = arith.subf %mul3A_41, %sub3A_48 : vector<2560x64xf32>
    %mul3A_50 = arith.mulf %sub3A_49, %sub3A_49 : vector<2560x64xf32>
    %reduce_sum3A_51 = arith.constant dense<0.000000e+00> : vector<2560xf32>
    %reduce_sum3A_52 = vector.multi_reduction <add>, %mul3A_50, %reduce_sum3A_51 [1] : vector<2560x64xf32> to vector<2560xf32>
    %broadcast_in_dim3A_53 = vector.shape_cast %reduce_sum3A_52 : vector<2560xf32> to vector<2560x1xf32>
    %div3A_54 = arith.constant 6.400000e+01 : f32
    %div3A_55 = vector.broadcast %div3A_54 : f32 to vector<2560x1xf32>
    %div3A_56 = arith.divf %broadcast_in_dim3A_53, %div3A_55 : vector<2560x1xf32>
    %add3A_57 = arith.constant 9.99999974E-6 : f32
    %add3A_58 = vector.broadcast %add3A_57 : f32 to vector<2560x1xf32>
    %add3A_59 = arith.addf %div3A_56, %add3A_58 : vector<2560x1xf32>
    %rsqrt3A = math.rsqrt %add3A_59 : vector<2560x1xf32>
    %mul3A_60 = vector.broadcast %rsqrt3A : vector<2560x1xf32> to vector<2560x64xf32>
    %mul3A_61 = arith.mulf %sub3A_49, %mul3A_60 : vector<2560x64xf32>
    %get3A_62 = arith.constant 0 : index
    %get3A_63 = arith.constant 0 : index
    %get3A_64 = vector.load %arg11[%get3A_62, %get3A_63] : memref<1x64xf32, #tpu.memory_space<vmem>>, vector<1x64xf32>
    %mul3A_65 = vector.broadcast %get3A_64 : vector<1x64xf32> to vector<2560x64xf32>
    %mul3A_66 = arith.mulf %mul3A_61, %mul3A_65 : vector<2560x64xf32>
    %get3A_67 = arith.constant 0 : index
    %get3A_68 = arith.constant 0 : index
    %get3A_69 = vector.load %arg12[%get3A_67, %get3A_68] : memref<1x64xf32, #tpu.memory_space<vmem>>, vector<1x64xf32>
    %add3A_70 = vector.broadcast %get3A_69 : vector<1x64xf32> to vector<2560x64xf32>
    %add3A_71 = arith.addf %mul3A_66, %add3A_70 : vector<2560x64xf32>
    %get3A_72 = arith.constant 0 : index
    %get3A_73 = arith.constant 0 : index
    %get3A_74 = vector.load %arg9[%get3A_72, %get3A_73] : memref<64x64xf32, #tpu.memory_space<vmem>>, vector<64x64xf32>
    %dot_general3A_75 = arith.constant dense<0.000000e+00> : vector<2560x64xf32>
    %dot_general3A_76 = tpu.matmul %add3A_71, %get3A_74, %dot_general3A_75 {dimension_numbers = #tpu.dot_dimension_numbers<[1], [0], [0], [1], [0, 0, 1, 1], [], []>, transpose_lhs_hint = false} : vector<2560x64xf32>, vector<64x64xf32>, vector<2560x64xf32> -> vector<2560x64xf32>
    %get3A_77 = arith.constant 0 : index
    %get3A_78 = arith.constant 0 : index
    %get3A_79 = vector.load %arg10[%get3A_77, %get3A_78] : memref<1x64xf32, #tpu.memory_space<vmem>>, vector<1x64xf32>
    %add3A_80 = vector.broadcast %get3A_79 : vector<1x64xf32> to vector<2560x64xf32>
    %add3A_81 = arith.addf %dot_general3A_76, %add3A_80 : vector<2560x64xf32>
    %max3A = arith.constant 0.000000e+00 : f32
    %max3A_82 = vector.broadcast %max3A : f32 to vector<2560x64xf32>
    %max3A_83 = arith.maximumf %add3A_81, %max3A_82 : vector<2560x64xf32>
    %add3A_84 = arith.addf %mul3A_41, %max3A_83 : vector<2560x64xf32>
    %get3A_85 = arith.constant 0 : index
    %get3A_86 = arith.constant 0 : index
    %get3A_87 = vector.load %arg13[%get3A_85, %get3A_86] : memref<64x64xf32, #tpu.memory_space<vmem>>, vector<64x64xf32>
    %dot_general3A_88 = arith.constant dense<0.000000e+00> : vector<2560x64xf32>
    %dot_general3A_89 = tpu.matmul %add3A_84, %get3A_87, %dot_general3A_88 {dimension_numbers = #tpu.dot_dimension_numbers<[1], [0], [0], [1], [0, 0, 1, 1], [], []>, transpose_lhs_hint = false} : vector<2560x64xf32>, vector<64x64xf32>, vector<2560x64xf32> -> vector<2560x64xf32>
    %get3A_90 = arith.constant 0 : index
    %get3A_91 = arith.constant 0 : index
    %get3A_92 = vector.load %arg14[%get3A_90, %get3A_91] : memref<1x64xf32, #tpu.memory_space<vmem>>, vector<1x64xf32>
    %add3A_93 = vector.broadcast %get3A_92 : vector<1x64xf32> to vector<2560x64xf32>
    %add3A_94 = arith.addf %dot_general3A_89, %add3A_93 : vector<2560x64xf32>
    %add3A_95 = arith.addf %add3A_94, %mul3A_41 : vector<2560x64xf32>
    %sub3A_96 = arith.subf %get3A_1, %get3A_4 : vector<2560x128xf32>
    %get3A_97 = arith.constant 0 : index
    %get3A_98 = arith.constant 0 : index
    %get3A_99 = vector.load %arg15[%get3A_97, %get3A_98] : memref<64x128xf32, #tpu.memory_space<vmem>>, vector<64x128xf32>
    %dot_general3A_100 = arith.constant dense<0.000000e+00> : vector<2560x128xf32>
    %dot_general3A_101 = tpu.matmul %add3A_95, %get3A_99, %dot_general3A_100 {dimension_numbers = #tpu.dot_dimension_numbers<[1], [0], [0], [1], [0, 0, 1, 1], [], []>, transpose_lhs_hint = false} : vector<2560x64xf32>, vector<64x128xf32>, vector<2560x128xf32> -> vector<2560x128xf32>
    %add3A_102 = arith.addf %sub3A_96, %dot_general3A_101 : vector<2560x128xf32>
    %swap3A = arith.constant 0 : index
    %swap3A_103 = arith.constant 0 : index
    %swap3A_104 = vector.load %arg16[%swap3A, %swap3A_103] : memref<2560x128xf32, #tpu.memory_space<vmem>>, vector<2560x128xf32>
    tpu.vector_store %arg16[%swap3A, %swap3A_103], %add3A_102 {strides = array<i32>} : memref<2560x128xf32, #tpu.memory_space<vmem>>, vector<2560x128xf32>,
    return
  }
  func.func @transform_0(%arg0: i32) -> (i32, i32) {
    %c0_i32 = arith.constant 0 : i32
    %c0_i32_0 = arith.constant 0 : i32
    return %arg0, %c0_i32 : i32, i32
  }
  func.func @transform_1(%arg0: i32) -> (i32, i32) {
    %c0_i32 = arith.constant 0 : i32
    %c0_i32_0 = arith.constant 0 : i32
    return %arg0, %c0_i32 : i32, i32
  }
  func.func @transform_2(%arg0: i32) -> (i32, i32) {
    %c0_i32 = arith.constant 0 : i32
    %c0_i32_0 = arith.constant 0 : i32
    %c0_i32_1 = arith.constant 0 : i32
    return %c0_i32, %c0_i32_0 : i32, i32
  }
  func.func @transform_3(%arg0: i32) -> (i32, i32) {
    %c0_i32 = arith.constant 0 : i32
    %c0_i32_0 = arith.constant 0 : i32
    %c0_i32_1 = arith.constant 0 : i32
    return %c0_i32, %c0_i32_0 : i32, i32
  }
  func.func @transform_4(%arg0: i32) -> (i32, i32) {
    %c0_i32 = arith.constant 0 : i32
    %c0_i32_0 = arith.constant 0 : i32
    %c0_i32_1 = arith.constant 0 : i32
    return %c0_i32, %c0_i32_0 : i32, i32
  }
  func.func @transform_5(%arg0: i32) -> (i32, i32) {
    %c0_i32 = arith.constant 0 : i32
    %c0_i32_0 = arith.constant 0 : i32
    %c0_i32_1 = arith.constant 0 : i32
    return %c0_i32, %c0_i32_0 : i32, i32
  }
  func.func @transform_6(%arg0: i32) -> (i32, i32) {
    %c0_i32 = arith.constant 0 : i32
    %c0_i32_0 = arith.constant 0 : i32
    %c0_i32_1 = arith.constant 0 : i32
    return %c0_i32, %c0_i32_0 : i32, i32
  }
  func.func @transform_7(%arg0: i32) -> (i32, i32) {
    %c0_i32 = arith.constant 0 : i32
    %c0_i32_0 = arith.constant 0 : i32
    %c0_i32_1 = arith.constant 0 : i32
    return %c0_i32, %c0_i32_0 : i32, i32
  }
  func.func @transform_8(%arg0: i32) -> (i32, i32) {
    %c0_i32 = arith.constant 0 : i32
    %c0_i32_0 = arith.constant 0 : i32
    %c0_i32_1 = arith.constant 0 : i32
    return %c0_i32, %c0_i32_0 : i32, i32
  }
  func.func @transform_9(%arg0: i32) -> (i32, i32) {
    %c0_i32 = arith.constant 0 : i32
    %c0_i32_0 = arith.constant 0 : i32
    %c0_i32_1 = arith.constant 0 : i32
    return %c0_i32, %c0_i32_0 : i32, i32
  }
  func.func @transform_10(%arg0: i32) -> (i32, i32) {
    %c0_i32 = arith.constant 0 : i32
    %c0_i32_0 = arith.constant 0 : i32
    %c0_i32_1 = arith.constant 0 : i32
    return %c0_i32, %c0_i32_0 : i32, i32
  }
  func.func @transform_11(%arg0: i32) -> (i32, i32) {
    %c0_i32 = arith.constant 0 : i32
    %c0_i32_0 = arith.constant 0 : i32
    %c0_i32_1 = arith.constant 0 : i32
    return %c0_i32, %c0_i32_0 : i32, i32
  }
  func.func @transform_12(%arg0: i32) -> (i32, i32) {
    %c0_i32 = arith.constant 0 : i32
    %c0_i32_0 = arith.constant 0 : i32
    %c0_i32_1 = arith.constant 0 : i32
    return %c0_i32, %c0_i32_0 : i32, i32
  }
  func.func @transform_13(%arg0: i32) -> (i32, i32) {
    %c0_i32 = arith.constant 0 : i32
    %c0_i32_0 = arith.constant 0 : i32
    %c0_i32_1 = arith.constant 0 : i32
    return %c0_i32, %c0_i32_0 : i32, i32
  }
  func.func @transform_14(%arg0: i32) -> (i32, i32) {
    %c0_i32 = arith.constant 0 : i32
    %c0_i32_0 = arith.constant 0 : i32
    %c0_i32_1 = arith.constant 0 : i32
    return %c0_i32, %c0_i32_0 : i32, i32
  }
  func.func @transform_15(%arg0: i32) -> (i32, i32) {
    %c0_i32 = arith.constant 0 : i32
    %c0_i32_0 = arith.constant 0 : i32
    return %arg0, %c0_i32 : i32, i32
  }
}

</mosaic_0001>

<sc_bundles>
// kernel: kernel.6.cloned.1.call-start
scs
__scs_entry_jumppad:
0x0: {  	(pc) =	sbr.rel $0x88, $3  }
0x1: {  	(tag) =	ssettag $0x0;
	lr =	simm.s32 $0x1  }
0x2: {  	[smem:$0x3F92] =	sst lr;
	_ =	strace $0xD0000000  }
0x3: {  	_ = 	snop  }
0x4: {  	_ = 	snop  }
0x5: {  	_ = 	snop  }
0x6: {  	_ = 	snop  }
0x7: {  	_ = 	snop  }
__scs_overlays_trampoline_lowered:
0x8: {  	[smem:$0x3FA1] =	sst s0  }
0x9: {  	[smem:$0x3FA2] =	sst s1  }
0xa: {  	[smem:$0x3FA3] =	sst s2  }
0xb: {  	[smem:$0x3FA4] =	sst s3  }
0xc: {  	[smem:$0x3FA5] =	sst s4  }
0xd: {  	[smem:$0x3FA6] =	sst s5  }
0xe: {  	[smem:$0x3FA7] =	sst s6  }
0xf: {  	[smem:$0x3FA8] =	sst s7  }
0x10: {  	[smem:$0x3FA9] =	sst s8  }
0x11: {  	[smem:$0x3FAA] =	sst s9;
	s0 =	simm.s32 @!p0 $0x0  }
0x12: {  	s1 =	sld [smem:$0x3F90];
	s0 =	simm.s32 @p0 $0x1  }
0x13: {  	[smem:$0x3FAB] =	sst s0;
	s0 =	simm.s32 @!p1 $0x0  }
0x14: {  	s2 =	sld [smem:$0x3F8F];
	s0 =	simm.s32 @p1 $0x1  }
0x15: {  	[smem:$0x3FAC] =	sst s0;
	s0 =	simm.s32 @!p2 $0x0  }
0x16: {  	s3 =	sld [smem:$0x3FDB];
	s0 =	simm.s32 @p2 $0x1  }
0x17: {  	s4 =	simm.s32 $0x1BF5;
	[smem:$0x3FAE] =	sst s0  }
0x18: {  	s0 =	sld [smem:$0x3F91];
	_ =	swait.ge [sflag:s4], $0x0  }
0x19: {  	s7 =	sld [smem:$0x3F92]  }
0x1a: {  	s8 =	sadd.s32 $0xFFFFE003, lr  }
0x1b: {  	s9 =	sadd.s32 $0xFFFFFEF7, lr;
	s5 =	simm.s32 $0xFFFFFFFF;
	p2 =	slt.u32 s8, $0xFFFFF086  }
0x1c: {  	p1 =	slt.u32 s9, $0xF7A;
	s5 =	simm.s32 @!p2 $0x0  }
0x1d: {  	s5 =	simm.s32 @p1 $0x1;
	p0 =	seq.s32 s7, s2  }
0x1e: {  	s7 =	smul.u32 @!p0 $0xF7A, s2;
	p2 =	seq.s32 @!p0 s5, $0x0  }
0x1f: {  	s9 =	smul.u32 $0xF7A, s1;
	s8 =	simm.s32 @!p0 $0x1BF5;
	p2 =	por !p2, p0  }
0x20: {  	[sflag:s8] =	ssyncset.s32 @!p0 $0xFFFFF086;
	s6 =	sadd.s32 @!p0 s3, s7;
	s7 =	simm.s32 @!p0 $0x108  }
0x21: {  	s3 =	sadd.s32 s3, s9;
	s6 =	sadd.s32 @!p0 $0x88, s6;
	s7 =	simm.s32 @p2 $0x1082  }
0x22: {  	[simem:s7], [sflag:s8] =	dma.local @!p0 [hbm:s6], $0xF7A  }
0x23: {  	s9 =	sor.u32 $0xD0000000, s2;
	s6 =	simm.s32 $0x108;
	_ =	swait.ge @!p0 [sflag:s8], $0x0  }
0x24: {  	s3 =	sadd.s32 $0x88, s3;
	s6 =	simm.s32 @!p1 $0x1082;
	[sflag:s4] =	ssyncset.s32 $0xFFFFF086  }
0x25: {  	[simem:s6], [sflag:s4] =	dma.local [hbm:s3], $0xF7A  }
0x26: {  	[smem:$0x3F92] =	sst s1;
	(tag) =	ssettag s2;
	_ =	strace s9  }
0x27: {  	s1 =	sld [smem:$0x3FA2]  }
0x28: {  	s2 =	sld [smem:$0x3FA3]  }
0x29: {  	s4 =	sld [smem:$0x3FA5]  }
0x2a: {  	p0 =	seq.s32 s5, $0x0;
	s5 =	sld [smem:$0x3FA6]  }
0x2b: {  	s6 =	sld [smem:$0x3FA7]  }
0x2c: {  	s7 =	sld [smem:$0x3FA8]  }
0x2d: {  	s3 =	simm.s32 $0x108;
	s8 =	sld [smem:$0x3FA9]  }
0x2e: {  	s3 =	simm.s32 @!p0 $0x1082;
	s9 =	sld [smem:$0x3FAA]  }
0x2f: {  	lr =	sadd.s32 s0, s3;
	s0 =	sld [smem:$0x3FA1]  }
0x30: {  	s3 =	sld [smem:$0x3FA4]  }
0x31: {  	[smem:$0x3FAD] =	sst s10  }
0x32: {  	s10 =	sld [smem:$0x3FAB];
	_ =	sdelay $0x3  }
0x33: {  	p0 =	seq.s32 s10, $0x1;
	s10 =	sld [smem:$0x3FAD];
	_ =	sdelay $0x3  }
0x34: {  	[smem:$0x3FAD] =	sst s10  }
0x35: {  	s10 =	sld [smem:$0x3FAC];
	_ =	sdelay $0x3  }
0x36: {  	p1 =	seq.s32 s10, $0x1;
	s10 =	sld [smem:$0x3FAD];
	_ =	sdelay $0x3  }
0x37: {  	[smem:$0x3FAD] =	sst s10  }
0x38: {  	s10 =	sld [smem:$0x3FAE]  }
0x39: {  	_ = 	snop;
	(pc) =	sbr.ind lr, $3  }
0x3a: {  	_ = 	snop  }
0x3b: {  	_ = 	snop  }
0x3c: {  	p2 =	seq.s32 s10, $0x1;
	s10 =	sld [smem:$0x3FAD]  }
0x3d: {  	_ =	shalt  }
0x3e: {  	_ =	shalt  }
0x3f: {  	_ =	shalt  }
0x40: {  	_ =	shalt  }
0x41: {  	_ =	shalt  }
0x42: {  	_ =	shalt  }
0x43: {  	_ =	shalt  }
0x44: {  	_ =	shalt  }
0x45: {  	_ =	shalt  }
0x46: {  	_ =	shalt  }
0x47: {  	_ =	shalt  }
0x48: {  	_ =	shalt  }
0x49: {  	_ =	shalt  }
0x4a: {  	_ =	shalt  }
0x4b: {  	_ =	shalt  }
0x4c: {  	_ =	shalt  }
0x4d: {  	_ =	shalt  }
0x4e: {  	_ =	shalt  }
0x4f: {  	_ =	shalt  }
0x50: {  	_ =	shalt  }
0x51: {  	_ =	shalt  }
0x52: {  	_ =	shalt  }
0x53: {  	_ =	shalt  }
0x54: {  	_ =	shalt  }
0x55: {  	_ =	shalt  }
0x56: {  	_ =	shalt  }
0x57: {  	_ =	shalt  }
0x58: {  	_ =	shalt  }
0x59: {  	_ =	shalt  }
0x5a: {  	_ =	shalt  }
0x5b: {  	_ =	shalt  }
0x5c: {  	_ =	shalt  }
0x5d: {  	_ =	shalt  }
0x5e: {  	_ =	shalt  }
0x5f: {  	_ =	shalt  }
0x60: {  	_ =	shalt  }
0x61: {  	_ =	shalt  }
0x62: {  	_ =	shalt  }
0x63: {  	_ =	shalt  }
0x64: {  	_ =	shalt  }
0x65: {  	_ =	shalt  }
0x66: {  	_ =	shalt  }
0x67: {  	_ =	shalt  }
0x68: {  	_ =	shalt  }
0x69: {  	_ =	shalt  }
0x6a: {  	_ =	shalt  }
0x6b: {  	_ =	shalt  }
0x6c: {  	_ =	shalt  }
0x6d: {  	_ =	shalt  }
0x6e: {  	_ =	shalt  }
0x6f: {  	_ =	shalt  }
0x70: {  	_ =	shalt  }
0x71: {  	_ =	shalt  }
0x72: {  	_ =	shalt  }
0x73: {  	_ =	shalt  }
0x74: {  	_ =	shalt  }
0x75: {  	_ =	shalt  }
0x76: {  	_ =	shalt  }
0x77: {  	_ =	shalt  }
0x78: {  	_ =	shalt  }
0x79: {  	_ =	shalt  }
0x7a: {  	_ =	shalt  }
0x7b: {  	_ =	shalt  }
0x7c: {  	_ =	shalt  }
0x7d: {  	_ =	shalt  }
0x7e: {  	_ =	shalt  }
0x7f: {  	_ =	shalt  }
0x80: {  	_ =	shalt  }
0x81: {  	_ =	shalt  }
0x82: {  	_ =	shalt  }
0x83: {  	_ =	shalt  }
0x84: {  	_ =	shalt  }
0x85: {  	_ =	shalt  }
0x86: {  	_ =	shalt  }
0x87: {  	_ =	shalt  }
.Lfunc_end0:
.L_simem_size_0:
called_computation_lowered:
.L_overlay_start_0:
0x88: {  	s2 =	sld [smem:$0x3FD9]  }
0x89: {  	s3 =	sld [smem:$0x3FFE];
	_ =	sdelay $0x1  }
0x8a: {  	s1 =	srdreg.scid  }
0x8b: {  	s0 =	sand.u32 $0x1, s1  }
0x8c: {  	s17 =	sshll.u32 s0, $0xA;
	s2 =	sadd.s32 s3, s2  }
0x8d: {  	s2 =	sadd.s32 s2, s17  }
0x8e: {  	[smem:$0x3FB9] =	sst s2  }
0x8f: {  	_ = 	snop  }
0x90: {  	s2 =	sld [smem:$0x3FD0];
	(tm) =	ssettm $0x1  }
0x91: {  	s18 =	sld [smem:$0x3FFB];
	_ =	sdelay $0x3  }
0x92: {  	_ =	strace s18  }
0x93: {  	s3 =	sld [smem:$0x3FFC];
	_ =	sdelay $0x3  }
0x94: {  	_ =	strace s3  }
0x95: {  	s3 =	sld [smem:$0x3FFD];
	_ =	sdelay $0x3  }
0x96: {  	_ =	strace s3  }
0x97: {  	_ =	strace $0x8FFFFFFF  }
0x98: {  	s19 =	sld [smem:$0x3FDB];
	_ =	sdelay $0x1  }
0x99: {  	s4 =	simm.s32 $_scs_section_size  }
0x9a: {  	s5 =	simm.s32 $_size__tile_overlayer_lowered;
	s6 =	simm.s32 $_tile_overlayer_lowered  }
0x9b: {  	s22 =	simm.s32 $0x1BFF;
	s21 =	sshll.u32 s6, $0x1;
	s3 =	sadd.s32 s4, s19  }
0x9c: {  	s7 =	simm.s32 $0x0;
	s20 =	sshll.u32 s5, $0x1;
	s5 =	sadd.s32 s21, s3  }
0x9d: {  	[timem:s7], [sflag:s22] =	dma.local [hbm:s5], s20  }
0x9e: {  	_ =	swait.ge [sflag:s22], s20  }
0x9f: {  	s4 =	ssub.s32 $0x0, s20;
	[sflag:s22] =	ssyncset.done $0x0  }
0xa0: {  	[sflag:s22] =	ssyncadd.s32 s4;
	_ =	sdelay $0x1  }
0xa1: {  	s23 =	simm.s32 $0x1B8B  }
0xa2: {  	_ =	swait.ge [sflag:s23], $0x1  }
0xa3: {  	[sflag:s23] =	ssyncset.done $0x0  }
0xa4: {  	s25 =	simm.s32 $0x1B8E;
	s24 =	sld [smem:$0x3FFE];
	[sflag:s23] =	ssyncadd.s32 $0xFFFFFFFF  }
0xa5: {  	s26 =	simm.s32 $execute0_lowered;
	[smem:$0x3FD2] =	sst s25  }
0xa6: {  	s5 =	sshll.u32 s26, $0x1;
	_ =	strace $0x80000046;
	[dreg:$0x1] =	wrdreg $0xFFFFFFFF  }
0xa7: {  	s28 =	simm.s32 $_size_execute0_lowered;
	s3 =	sadd.s32 s3, s5;
	[dreg:$0x0] =	wrdreg $0x0  }
0xa8: {  	s5 =	sshll.u32 s28, $0x1;
	[dreg:$0x2] =	wrdreg s3  }
0xa9: {  	[dreg:$0x3] =	wrdreg s5  }
0xaa: {  	[dreg:$0x4] =	wrdreg $0xC0  }
0xab: {  	_ =	task [dreg:s7], $0x5FFFF  }
0xac: {  	[dreg:$0x1] =	wrdreg $0xFFFFFFFF  }
0xad: {  	[dreg:$0x0] =	wrdreg $0x60  }
0xae: {  	[dreg:$0x2] =	wrdreg s24  }
0xaf: {  	[dreg:$0x3] =	wrdreg s2  }
0xb0: {  	[dreg:$0x4] =	wrdreg $0x166800  }
0xb1: {  	[dreg:$0x5] =	wrdreg $0x17A800  }
0xb2: {  	[dreg:$0x6] =	wrdreg $0x9  }
0xb3: {  	_ =	task.clear_ibuf [dreg:s7], $0x7FFFF;
	_ =	strace $0x90000046  }
0xb4: {  	s29 =	simm.s32 $0x9;
	_ =	strace $0x80000048  }
0xb5: {  	_ =	swait.ge [sflag:s29], $0x1  }
0xb6: {  	[sflag:s29] =	ssyncadd.s32 $0xFFFFFFFF  }
0xb7: {  	_ =	strace $0x90000048  }
0xb8: {  	_ =	sfence  }
0xb9: {  	s30 =	sld [smem:$0x0];
	_ =	sdelay $0x2  }
0xba: {  	s31 =	sshll.u32 s1, $0xD;
	s1 =	sshrl.u32 s1, $0x2  }
0xbb: {  	s3 =	sand.u32 $0x4000, s31;
	s1 =	sadd.s32 s1, s30  }
0xbc: {  	s0 =	sor.u32 s3, s0;
	s1 =	sshll.u32 s1, $0x11  }
0xbd: {  	s0 =	sor.u32 s1, s0  }
0xbe: {  	s0 =	sadd.s32 $0x8F2B, s0  }
0xbf: {  	[sflag:s0] =	ssyncadd.remote.s32 $0x1  }
0xc0: {  	_ =	sfence.sel $0xFFFF  }
0xc1: {  	[dreg:$0x0] =	wrdreg $0xFFFFFFFF;
	(pc) =	sbr.abs _section_cstart, $3  }
0xc2: {  	[dreg:$0x1] =	wrdreg $0xFFFFFFFF  }
0xc3: {  	_ =	task.clear_ibuf [dreg:s7], $0x2FFFF;
	_ =	strace $0x9FFFFFFF  }
0xc4: {  	(tm) =	ssettm $0x7FFFFFFF  }
0xc5: {  	_ =	shalt  }
tec
execute0_lowered:
.L_overlay_start_1:
0x0: {  	(tag) =	ssettag $0x1  }
0x1: {  	s0 =	rddreg [dreg:$0x0]  }
0x2: {  	s1 =	rddreg [dreg:$0x1]  }
0x3: {  	s2 =	rddreg [dreg:$0x2];
	s12 =	stileid.u32  }
0x4: {  	s5 =	srdreg.scid;
	s3 =	rddreg [dreg:$0x3]  }
0x5: {  	s30 =	simm.s32 $0x11800;
	s31 =	simm.s32 $0x3;
	s4 =	smul.u32 $0x4E20, s12  }
0x6: {  	s13 =	simm.s32 $0x7770;
	s14 =	simm.s32 $0x7800;
	s8 =	smul.u32 $0x140, s12  }
0x7: {  	s7 =	sand.u32 $0x1, s5;
	s5 =	simm.s32 $0x0;
	s12 =	smul.u32 $0x5000, s12  }
0x8: {  	s15 =	smul.u32 $0x1400, s7;
	[smem:$0x7FF] =	sst s5;
	s7 =	ssub.s32 $0x2, s7  }
0x9: {  	_ =	strace $0x80000047;
	s9 =	sshrl.u32 s4, $0x3;
	s11 =	sshrl.u32 s7, $0x1  }
0xa: {  	s18 =	sshrl.u32 s12, $0x2;
	s19 =	sadd.s32 s4, s3;
	s12 =	simm.s32 $0x7720  }
0xb: {  	s6 =	sadd.s32 s8, s15;
	s9 =	sadd.s32 s9, s0;
	s7 =	ssub.s32 s7, s11  }
0xc: {  	[dreg:$0x8] =	wrdreg s19;
	s11 =	sadd.s32 s8, s2;
	s17 =	sadd.s32 $0xCE00, s9  }
0xd: {  	s8 =	simm.s32 $0x50;
	s9 =	sadd.s32 $0x3000, s9;
	[dreg:$0x5] =	wrdreg s17  }
0xe: {  	v0 =	vmov s15;
	s15 =	simm.s32 $0x0;
	s20 =	sadd.s32 $0x2800, s11;
	[dreg:$0x6] =	wrdreg s9  }
0xf: {  	s10 =	sshll.u32 s6, $0x4;
	s21 =	sadd.s32 $0x3C00, s11;
	[dreg:$0xa] =	wrdreg s20  }
0x10: {  	s22 =	sadd.s32 $0x5000, s11;
	s23 =	sadd.s32 $0x6400, s11;
	[dreg:$0xb] =	wrdreg s21  }
0x11: {  	s24 =	sadd.s32 $0x7800, s11;
	s25 =	sadd.s32 $0x8C00, s11;
	[dreg:$0xc] =	wrdreg s22  }
0x12: {  	s26 =	sadd.s32 $0xA000, s11;
	s28 =	sadd.s32 $0x11800, s11;
	[dreg:$0xd] =	wrdreg s23  }
0x13: {  	s29 =	sadd.s32 $0x12C00, s11;
	s0 =	sadd.s32 s10, s0;
	[dreg:$0xe] =	wrdreg s24  }
0x14: {  	s9 =	sadd.s32 s18, s2;
	s2 =	sadd.s32 $0x1400, s11;
	[dreg:$0xf] =	wrdreg s25  }
0x15: {  	[dreg:$0x10] =	wrdreg s26;
	s20 =	sadd.s32 $0xB400, s11;
	s21 =	sadd.s32 $0xC800, s11  }
0x16: {  	s22 =	sadd.s32 $0xDC00, s11;
	s24 =	smax.u32 s7, $0x1;
	s25 =	sadd.s32 $0xF000, s11  }
0x17: {  	s26 =	sadd.s32 $0x10400, s11;
	s7 =	simm.s32 $0x1;
	[dreg:$0x7] =	wrdreg s9  }
0x18: {  	s10 =	simm.s32 $0x76D0;
	[dreg:$0x9] =	wrdreg s2;
	s23 =	sadd.s32 $0x16C00, s0  }
0x19: {  	v1 =	vimm.s32 $0xFFFFFFFF;
	v2 =	vlaneseq.u32;
	s2 =	simm.s32 $0x4E80;
	s0 =	simm.s32 $0x2;
	s9 =	simm.s32 $0x7680  }
.LBB2_1:
0x1a: {  	s16 =	rddreg [dreg:$0x5]  }
0x1b: {  	[tilespmem:s30], [sflag:$0x2] =	stream.linear.gather [hbm4b:s16+s5], $0x4E20, $0x38;
	[tilespmem:$0x1C8A0] =	vst v63  }
0x1c: {  	s19 =	rddreg [dreg:$0x6]  }
0x1d: {  	[tilespmem:s5], [sflag:$0x3] =	stream.linear.gather [hbm4b:s19+s5], $0x4E20, $0x38;
	[tilespmem:$0x1C8A0] =	vst v63  }
0x1e: {  	_ =	swait.ge [sflag:s31], $0x4E20  }
0x1f: {  	[sflag:s31] =	ssyncset.done $0x0  }
0x20: {  	s16 =	simm.s32 $0x0;
	[sflag:s31] =	ssyncadd.s32 $0xFFFFB1E0  }
.LBB2_2:
0x21: {  	p0 =	sne.s32 s16, $0x4FC0  }
.Ltmp0:
0x22: {  	_ = 	snop;
	(pc) =	sbr.rel @p0 .LBB2_2-.Ltmp0, $3  }
0x23: {  	_ =	sdelay $0x1  }
0x24: {  	s17 =	sshra.s32 s16, $0x2  }
0x25: {  	s16 =	sadd.s32 $0x40, s16;
	[tilespmem:s17+$0x4E80] =	vst v1  }
0x26: {  	s16 =	simm.s32 $0x0  }
0x27: {  	v3 =	vld [tilespmem:s16+$0x0];
	_ =	sdelay $0x4  }
0x28: {  	v3 =	vsub.s32 v3, v0  }
0x29: {  	vm0 =	vgt.s32 v3, $0x0  }
0x2a: {  	vm1 =	vlt.u32 v3, $0x1400;
	v3 =	vnsel vm0, $0x0, v3  }
0x2b: {  	v3 =	vmin.u32 v3, $0x13FF;
	_ =	sdelay $0x3  }
0x2c: {  	v4 =	vor.u32 s4, v2  }
0x2d: {  	s18 =	simm.s32 $0x10;
	s17 =	simm.s32 $0x80;
	s16 =	smov.u32 s4;
	[tilespmem:v3+s2+$0x0] =	vst.idx.msk vm1, v4  }
.LBB2_4:
0x2e: {  	p0 =	sne.s32 s17, $0x13840;
	v3 =	vld [tilespmem:s18+$0x0];
	_ =	sdelay $0x4  }
0x2f: {  	v3 =	vsub.s32 v3, v0  }
0x30: {  	vm0 =	vgt.s32 v3, $0x0  }
0x31: {  	vm1 =	vlt.u32 v3, $0x1400;
	v3 =	vnsel vm0, $0x0, v3  }
0x32: {  	v3 =	vmin.u32 v3, $0x13FF  }
.Ltmp1:
0x33: {  	(pc) =	sbr.rel @p0 .LBB2_4-.Ltmp1, $4  }
0x34: {  	_ = 	snop  }
0x35: {  	s16 =	sadd.s32 $0x10, s16  }
0x36: {  	v4 =	vor.u32 s16, v2  }
0x37: {  	s18 =	sshra.s32 s17, $0x2;
	s17 =	sadd.s32 $0x40, s17;
	[tilespmem:v3+s2+$0x0] =	vst.idx.msk vm1, v4  }
0x38: {  	v3 =	vld [tilespmem:s18+$0x0];
	_ =	sdelay $0x4  }
0x39: {  	v3 =	vsub.s32 v3, v0  }
0x3a: {  	vm0 =	vgt.s32 v3, $0x0  }
0x3b: {  	vm1 =	vlt.u32 v3, $0x1400;
	v3 =	vnsel vm0, $0x0, v3  }
0x3c: {  	v3 =	vmin.u32 v3, $0x13FF;
	_ =	sdelay $0x2  }
0x3d: {  	s16 =	sadd.s32 $0x10, s16  }
0x3e: {  	v4 =	vor.u32 s16, v2  }
0x3f: {  	s17 =	rddreg [dreg:$0x7];
	[tilespmem:v3+s2+$0x0] =	vst.idx.msk vm1, v4  }
0x40: {  	[spmem:s17] =	stream.linear.scatter [tilespmem:s2], [sflag:$0x3], $0x1400, $0x38;
	[tilespmem:$0x1C8A0] =	vst v63  }
0x41: {  	_ =	swait.ge [sflag:s31], $0x1400  }
0x42: {  	[sflag:s31] =	ssyncset.done $0x0  }
0x43: {  	[sflag:s31] =	ssyncadd.s32 $0xFFFFEC00  }
0x44: {  	_ =	swait.ge [sflag:s0], $0x4E20  }
0x45: {  	[sflag:s0] =	ssyncset.done $0x0  }
0x46: {  	s18 =	rddreg [dreg:$0x8];
	[sflag:s0] =	ssyncadd.s32 $0xFFFFB1E0  }
0x47: {  	[spmem:s18] =	stream.linear.scatter [tilespmem:s30], [sflag:$0x3], $0x4E20, $0x38;
	[tilespmem:$0x1C8A0] =	vst v63  }
0x48: {  	_ =	swait.ge [sflag:s31], $0x4E20  }
0x49: {  	[sflag:s31] =	ssyncset.done $0x0  }
0x4a: {  	[sflag:s31] =	ssyncadd.s32 $0xFFFFB1E0  }
0x4b: {  	s16 =	simm.s32 $0x6280;
	[bflag:$0x0] =	sbarrier.arrive $0xFFFF  }
0x4c: {  	[tilespmem:s16], [sflag:$0x1] =	stream.linear.gather [spmem:s11], $0x140, $0x38;
	[tilespmem:$0x1C8A0] =	vst v63  }
0x4d: {  	s19 =	simm.s32 $0x63C0;
	s17 =	rddreg [dreg:$0x9]  }
0x4e: {  	[tilespmem:s19], [sflag:$0x1] =	stream.linear.gather [spmem:s17], $0x140, $0x38;
	[tilespmem:$0x1C8A0] =	vst v63  }
0x4f: {  	s18 =	rddreg [dreg:$0xa];
	s19 =	simm.s32 $0x6500  }
0x50: {  	[tilespmem:s19], [sflag:$0x1] =	stream.linear.gather [spmem:s18], $0x140, $0x38;
	[tilespmem:$0x1C8A0] =	vst v63  }
0x51: {  	s18 =	rddreg [dreg:$0xb];
	s19 =	simm.s32 $0x6640  }
0x52: {  	[tilespmem:s19], [sflag:$0x1] =	stream.linear.gather [spmem:s18], $0x140, $0x38;
	[tilespmem:$0x1C8A0] =	vst v63  }
0x53: {  	s18 =	rddreg [dreg:$0xc];
	s19 =	simm.s32 $0x6780  }
0x54: {  	[tilespmem:s19], [sflag:$0x1] =	stream.linear.gather [spmem:s18], $0x140, $0x38;
	[tilespmem:$0x1C8A0] =	vst v63  }
0x55: {  	s18 =	rddreg [dreg:$0xd];
	s19 =	simm.s32 $0x68C0  }
0x56: {  	[tilespmem:s19], [sflag:$0x1] =	stream.linear.gather [spmem:s18], $0x140, $0x38;
	[tilespmem:$0x1C8A0] =	vst v63  }
0x57: {  	s18 =	rddreg [dreg:$0xe];
	s19 =	simm.s32 $0x6A00  }
0x58: {  	[tilespmem:s19], [sflag:$0x1] =	stream.linear.gather [spmem:s18], $0x140, $0x38;
	[tilespmem:$0x1C8A0] =	vst v63  }
0x59: {  	s18 =	rddreg [dreg:$0xf];
	s19 =	simm.s32 $0x6B40  }
0x5a: {  	[tilespmem:s19], [sflag:$0x1] =	stream.linear.gather [spmem:s18], $0x140, $0x38;
	[tilespmem:$0x1C8A0] =	vst v63  }
0x5b: {  	s18 =	rddreg [dreg:$0x10];
	s19 =	simm.s32 $0x6C80  }
0x5c: {  	[tilespmem:s19], [sflag:$0x1] =	stream.linear.gather [spmem:s18], $0x140, $0x38;
	[tilespmem:$0x1C8A0] =	vst v63  }
0x5d: {  	s18 =	simm.s32 $0x6DC0  }
0x5e: {  	[tilespmem:s18], [sflag:$0x1] =	stream.linear.gather [spmem:s20], $0x140, $0x38;
	[tilespmem:$0x1C8A0] =	vst v63  }
0x5f: {  	s19 =	simm.s32 $0x6F00  }
0x60: {  	[tilespmem:s19], [sflag:$0x1] =	stream.linear.gather [spmem:s21], $0x140, $0x38;
	[tilespmem:$0x1C8A0] =	vst v63  }
0x61: {  	s18 =	simm.s32 $0x7040  }
0x62: {  	[tilespmem:s18], [sflag:$0x1] =	stream.linear.gather [spmem:s22], $0x140, $0x38;
	[tilespmem:$0x1C8A0] =	vst v63  }
0x63: {  	s19 =	simm.s32 $0x7180  }
0x64: {  	[tilespmem:s19], [sflag:$0x1] =	stream.linear.gather [spmem:s25], $0x140, $0x38;
	[tilespmem:$0x1C8A0] =	vst v63  }
0x65: {  	s18 =	simm.s32 $0x72C0  }
0x66: {  	[tilespmem:s18], [sflag:$0x1] =	stream.linear.gather [spmem:s26], $0x140, $0x38;
	[tilespmem:$0x1C8A0] =	vst v63  }
0x67: {  	s19 =	simm.s32 $0x7400  }
0x68: {  	[tilespmem:s19], [sflag:$0x1] =	stream.linear.gather [spmem:s28], $0x140, $0x38;
	[tilespmem:$0x1C8A0] =	vst v63  }
0x69: {  	s18 =	simm.s32 $0x7540  }
0x6a: {  	[tilespmem:s18], [sflag:$0x1] =	stream.linear.gather [spmem:s29], $0x140, $0x38;
	[tilespmem:$0x1C8A0] =	vst v63  }
0x6b: {  	_ =	swait.ge [sflag:s7], $0x140  }
0x6c: {  	[sflag:s7] =	ssyncset.done $0x0  }
0x6d: {  	[sflag:s7] =	ssyncadd.s32 $0xFFFFFEC0  }
0x6e: {  	_ =	swait.ge [sflag:s7], $0x140  }
0x6f: {  	[sflag:s7] =	ssyncset.done $0x0  }
0x70: {  	[sflag:s7] =	ssyncadd.s32 $0xFFFFFEC0  }
0x71: {  	_ =	swait.ge [sflag:s7], $0x140  }
0x72: {  	[sflag:s7] =	ssyncset.done $0x0  }
0x73: {  	[sflag:s7] =	ssyncadd.s32 $0xFFFFFEC0  }
0x74: {  	_ =	swait.ge [sflag:s7], $0x140  }
0x75: {  	[sflag:s7] =	ssyncset.done $0x0  }
0x76: {  	[sflag:s7] =	ssyncadd.s32 $0xFFFFFEC0  }
0x77: {  	_ =	swait.ge [sflag:s7], $0x140  }
0x78: {  	[sflag:s7] =	ssyncset.done $0x0  }
0x79: {  	[sflag:s7] =	ssyncadd.s32 $0xFFFFFEC0  }
0x7a: {  	_ =	swait.ge [sflag:s7], $0x140  }
0x7b: {  	[sflag:s7] =	ssyncset.done $0x0  }
0x7c: {  	[sflag:s7] =	ssyncadd.s32 $0xFFFFFEC0  }
0x7d: {  	_ =	swait.ge [sflag:s7], $0x140  }
0x7e: {  	[sflag:s7] =	ssyncset.done $0x0  }
0x7f: {  	[sflag:s7] =	ssyncadd.s32 $0xFFFFFEC0  }
0x80: {  	_ =	swait.ge [sflag:s7], $0x140  }
0x81: {  	[sflag:s7] =	ssyncset.done $0x0  }
0x82: {  	[sflag:s7] =	ssyncadd.s32 $0xFFFFFEC0  }
0x83: {  	_ =	swait.ge [sflag:s7], $0x140  }
0x84: {  	[sflag:s7] =	ssyncset.done $0x0  }
0x85: {  	[sflag:s7] =	ssyncadd.s32 $0xFFFFFEC0  }
0x86: {  	_ =	swait.ge [sflag:s7], $0x140  }
0x87: {  	[sflag:s7] =	ssyncset.done $0x0  }
0x88: {  	[sflag:s7] =	ssyncadd.s32 $0xFFFFFEC0  }
0x89: {  	_ =	swait.ge [sflag:s7], $0x140  }
0x8a: {  	[sflag:s7] =	ssyncset.done $0x0  }
0x8b: {  	[sflag:s7] =	ssyncadd.s32 $0xFFFFFEC0  }
0x8c: {  	_ =	swait.ge [sflag:s7], $0x140  }
0x8d: {  	[sflag:s7] =	ssyncset.done $0x0  }
0x8e: {  	[sflag:s7] =	ssyncadd.s32 $0xFFFFFEC0  }
0x8f: {  	_ =	swait.ge [sflag:s7], $0x140  }
0x90: {  	[sflag:s7] =	ssyncset.done $0x0  }
0x91: {  	[sflag:s7] =	ssyncadd.s32 $0xFFFFFEC0  }
0x92: {  	_ =	swait.ge [sflag:s7], $0x140  }
0x93: {  	[sflag:s7] =	ssyncset.done $0x0  }
0x94: {  	[sflag:s7] =	ssyncadd.s32 $0xFFFFFEC0  }
0x95: {  	_ =	swait.ge [sflag:s7], $0x140  }
0x96: {  	[sflag:s7] =	ssyncset.done $0x0  }
0x97: {  	[sflag:s7] =	ssyncadd.s32 $0xFFFFFEC0  }
0x98: {  	_ =	swait.ge [sflag:s7], $0x140  }
0x99: {  	[sflag:s7] =	ssyncset.done $0x0  }
0x9a: {  	[sflag:s7] =	ssyncadd.s32 $0xFFFFFEC0  }
0x9b: {  	v3 =	vld [tilespmem:s16+$0x3C0]  }
0x9c: {  	s19 =	simm.s32 $0x0;
	v4 =	vld [tilespmem:s16+$0x140]  }
0x9d: {  	s17 =	simm.s32 $0x6280;
	s19 =	sand.u32 $0x1F0, s19;
	s18 =	simm.s32 $0x10;
	v5 =	vld [tilespmem:s16+$0x0]  }
.LBB2_6:
0x9e: {  	p0 =	sne.s32 s18, $0x130;
	v6 =	vld [tilespmem:s19+$0x6500]  }
0x9f: {  	v7 =	vld [tilespmem:s19+$0x6780]  }
0xa0: {  	v8 =	vld [tilespmem:s19+$0x6A00]  }
0xa1: {  	v9 =	vld [tilespmem:s19+$0x6C80]  }
0xa2: {  	vm0 =	vgt.s32 v5, v4;
	v10 =	vld [tilespmem:s19+$0x6F00]  }
0xa3: {  	v4 =	vsel vm0, v5, v4;
	v5 =	vld [tilespmem:s19+$0x7180]  }
0xa4: {  	vm0 =	vgt.s32 v4, v6;
	v11 =	vld [tilespmem:s19+$0x7400]  }
0xa5: {  	v4 =	vsel vm0, v4, v6;
	v6 =	vld [tilespmem:s16+$0x640]  }
0xa6: {  	vm0 =	vgt.s32 v4, v3  }
0xa7: {  	v3 =	vsel vm0, v4, v3  }
0xa8: {  	vm0 =	vgt.s32 v3, v7  }
0xa9: {  	v3 =	vsel vm0, v3, v7;
	v4 =	vld [tilespmem:s16+$0x8C0]  }
0xaa: {  	vm0 =	vgt.s32 v3, v6  }
0xab: {  	v3 =	vsel vm0, v3, v6  }
0xac: {  	vm0 =	vgt.s32 v3, v8  }
0xad: {  	v3 =	vsel vm0, v3, v8;
	v6 =	vld [tilespmem:s16+$0xB40]  }
0xae: {  	vm0 =	vgt.s32 v3, v4  }
0xaf: {  	v3 =	vsel vm0, v3, v4  }
0xb0: {  	vm0 =	vgt.s32 v3, v9  }
0xb1: {  	v3 =	vsel vm0, v3, v9;
	v4 =	vld [tilespmem:s16+$0xDC0]  }
0xb2: {  	vm0 =	vgt.s32 v3, v6  }
0xb3: {  	v3 =	vsel vm0, v3, v6  }
0xb4: {  	vm0 =	vgt.s32 v3, v10  }
0xb5: {  	v3 =	vsel vm0, v3, v10;
	v6 =	vld [tilespmem:s16+$0x1040]  }
0xb6: {  	vm0 =	vgt.s32 v3, v4  }
0xb7: {  	v3 =	vsel vm0, v3, v4  }
0xb8: {  	vm0 =	vgt.s32 v3, v5  }
0xb9: {  	v3 =	vsel vm0, v3, v5;
	v4 =	vld [tilespmem:s16+$0x12C0]  }
0xba: {  	vm0 =	vgt.s32 v3, v6  }
0xbb: {  	v3 =	vsel vm0, v3, v6  }
0xbc: {  	vm0 =	vgt.s32 v3, v11  }
0xbd: {  	v3 =	vsel vm0, v3, v11  }
0xbe: {  	vm0 =	vgt.s32 v3, v4  }
.Ltmp2:
0xbf: {  	v4 =	vsel vm0, v3, v4;
	(pc) =	sbr.rel @p0 .LBB2_6-.Ltmp2, $4  }
0xc0: {  	s16 =	sadd.s32 $0x10, s16;
	vm0 =	vgt.s32 v4, $0x0;
	v5 =	vshra.s32 v4, $0x1F  }
0xc1: {  	v3 =	vld [tilespmem:s16+$0x3C0];
	v6 =	vnsel vm0, $0x0, v4;
	[tilespmem:s17+$0x140] =	vst v5  }
0xc2: {  	v4 =	vld [tilespmem:s16+$0x140];
	[tilespmem:s17+$0x0] =	vst v6;
	s17 =	smov.u32 s16  }
0xc3: {  	s19 =	sand.u32 $0x1F0, s18;
	s18 =	sadd.s32 $0x10, s18;
	v5 =	vld [tilespmem:s16+$0x0]  }
0xc4: {  	_ = 	snop  }
0xc5: {  	v6 =	vld [tilespmem:s19+$0x6500];
	_ =	sdelay $0x2  }
0xc6: {  	vm0 =	vgt.s32 v5, v4  }
0xc7: {  	v7 =	vld [tilespmem:s19+$0x6780];
	v4 =	vsel vm0, v5, v4  }
0xc8: {  	vm0 =	vgt.s32 v4, v6  }
0xc9: {  	v5 =	vld [tilespmem:s16+$0x640];
	v4 =	vsel vm0, v4, v6  }
0xca: {  	vm0 =	vgt.s32 v4, v3  }
0xcb: {  	v59 =	vld [tilespmem:s19+$0x6A00];
	v3 =	vsel vm0, v4, v3  }
0xcc: {  	vm0 =	vgt.s32 v3, v7  }
0xcd: {  	v4 =	vld [tilespmem:s16+$0x8C0];
	v3 =	vsel vm0, v3, v7  }
0xce: {  	vm0 =	vgt.s32 v3, v5  }
0xcf: {  	v60 =	vld [tilespmem:s19+$0x6C80];
	v3 =	vsel vm0, v3, v5  }
0xd0: {  	vm0 =	vgt.s32 v3, v59  }
0xd1: {  	v5 =	vld [tilespmem:s16+$0xB40];
	v3 =	vsel vm0, v3, v59  }
0xd2: {  	vm0 =	vgt.s32 v3, v4  }
0xd3: {  	v61 =	vld [tilespmem:s19+$0x6F00];
	v3 =	vsel vm0, v3, v4  }
0xd4: {  	vm0 =	vgt.s32 v3, v60  }
0xd5: {  	v4 =	vld [tilespmem:s16+$0xDC0];
	v3 =	vsel vm0, v3, v60  }
0xd6: {  	vm0 =	vgt.s32 v3, v5  }
0xd7: {  	v62 =	vld [tilespmem:s19+$0x7180];
	v3 =	vsel vm0, v3, v5  }
0xd8: {  	vm0 =	vgt.s32 v3, v61  }
0xd9: {  	v5 =	vld [tilespmem:s16+$0x1040];
	v3 =	vsel vm0, v3, v61  }
0xda: {  	vm0 =	vgt.s32 v3, v4  }
0xdb: {  	v63 =	vld [tilespmem:s19+$0x7400];
	v3 =	vsel vm0, v3, v4  }
0xdc: {  	vm0 =	vgt.s32 v3, v62  }
0xdd: {  	v4 =	vld [tilespmem:s16+$0x12C0];
	v3 =	vsel vm0, v3, v62  }
0xde: {  	vm0 =	vgt.s32 v3, v5  }
0xdf: {  	v3 =	vsel vm0, v3, v5  }
0xe0: {  	vm0 =	vgt.s32 v3, v63  }
0xe1: {  	v3 =	vsel vm0, v3, v63  }
0xe2: {  	vm0 =	vgt.s32 v3, v4  }
0xe3: {  	v3 =	vsel vm0, v3, v4  }
0xe4: {  	vm0 =	vgt.s32 v3, $0x0;
	v4 =	vshra.s32 v3, $0x1F  }
0xe5: {  	v3 =	vnsel vm0, $0x0, v3;
	[tilespmem:s17+$0x140] =	vst v4  }
0xe6: {  	s19 =	simm.s32 $0x6280;
	[tilespmem:s17+$0x0] =	vst v3  }
0xe7: {  	[tilespmem:s9], [sflag:$0x1] =	stream.indirect.gather [spmem:s3], $0x1, s19, s8, $0xb8;
	[tilespmem:$0x1C8A0] =	vst v63  }
0xe8: {  	s17 =	simm.s32 $0x62D0  }
0xe9: {  	[tilespmem:s10], [sflag:$0x1] =	stream.indirect.gather [spmem:s3], $0x1, s17, s8, $0xb8;
	[tilespmem:$0x1C8A0] =	vst v63  }
0xea: {  	s18 =	simm.s32 $0x6320  }
0xeb: {  	[tilespmem:s12], [sflag:$0x1] =	stream.indirect.gather [spmem:s3], $0x1, s18, s8, $0xb8;
	[tilespmem:$0x1C8A0] =	vst v63  }
0xec: {  	s19 =	simm.s32 $0x6370  }
0xed: {  	[tilespmem:s13], [sflag:$0x1] =	stream.indirect.gather [spmem:s3], $0x1, s19, s8, $0xb8;
	[tilespmem:$0x1C8A0] =	vst v63  }
0xee: {  	_ =	swait.ge [sflag:s7], $0x50  }
0xef: {  	[sflag:s7] =	ssyncset.done $0x0  }
0xf0: {  	[sflag:s7] =	ssyncadd.s32 $0xFFFFFFB0  }
0xf1: {  	_ =	swait.ge [sflag:s7], $0x50  }
0xf2: {  	[sflag:s7] =	ssyncset.done $0x0  }
0xf3: {  	[sflag:s7] =	ssyncadd.s32 $0xFFFFFFB0  }
0xf4: {  	_ =	swait.ge [sflag:s7], $0x50  }
0xf5: {  	[sflag:s7] =	ssyncset.done $0x0  }
0xf6: {  	[sflag:s7] =	ssyncadd.s32 $0xFFFFFFB0  }
0xf7: {  	_ =	swait.ge [sflag:s7], $0x50  }
0xf8: {  	[sflag:s7] =	ssyncset.done $0x0  }
0xf9: {  	s16 =	simm.s32 $0x0;
	[sflag:s7] =	ssyncadd.s32 $0xFFFFFFB0  }
0xfa: {  	v3 =	vld [tilespmem:s16+$0x63C0]  }
0xfb: {  	v4 =	vld [tilespmem:s16+$0x7680];
	_ =	sdelay $0x3  }
0xfc: {  	v5 =	vor.u32 s6, v2;
	vm15 =	veq.s32 v3, $0x0  }
0xfd: {  	s17 =	smov.u32 s6;
	s18 =	simm.s32 $0x80;
	s19 =	simm.s32 $0x10;
	v3 =	vsel vm15, v4, v5  }
.LBB2_8:
0xfe: {  	p0 =	sne.s32 s18, $0x4C0;
	v4 =	vld [tilespmem:s19+$0x63C0];
	[tilespmem:s16+$0x7680] =	vst v3;
	s16 =	smov.u32 s19  }
0xff: {  	v3 =	vld [tilespmem:s16+$0x7680]  }
.Ltmp3:
0x100: {  	(pc) =	sbr.rel @p0 .LBB2_8-.Ltmp3, $4  }
0x101: {  	_ = 	snop  }
0x102: {  	s17 =	sadd.s32 $0x10, s17  }
0x103: {  	v5 =	vor.u32 s17, v2;
	vm0 =	veq.s32 v4, $0x0  }
0x104: {  	s19 =	sshra.s32 s18, $0x2;
	s18 =	sadd.s32 $0x40, s18;
	v3 =	vsel vm0, v3, v5  }
0x105: {  	v4 =	vld [tilespmem:s19+$0x63C0];
	[tilespmem:s16+$0x7680] =	vst v3  }
0x106: {  	v3 =	vld [tilespmem:s19+$0x7680];
	_ =	sdelay $0x2  }
0x107: {  	s18 =	sadd.s32 $0x10, s17  }
0x108: {  	v5 =	vor.u32 s18, v2;
	vm0 =	veq.s32 v4, $0x0  }
0x109: {  	v3 =	vsel vm0, v3, v5  }
0x10a: {  	[tilespmem:s19+$0x7680] =	vst v3  }
0x10b: {  	[tilespmem:s14], [sflag:$0x2] =	stream.indirect.gather [hbm4b:s1+s8], $0x80, s9, s8, $0xb8;
	[tilespmem:$0x1C8A0] =	vst v63  }
0x10c: {  	s17 =	simm.s32 $0xA000  }
0x10d: {  	[tilespmem:s17], [sflag:$0x2] =	stream.indirect.gather [hbm4b:s1+s8], $0x80, s10, s8, $0xb8;
	[tilespmem:$0x1C8A0] =	vst v63  }
0x10e: {  	s18 =	simm.s32 $0xC800  }
0x10f: {  	[tilespmem:s18], [sflag:$0x2] =	stream.indirect.gather [hbm4b:s1+s8], $0x80, s12, s8, $0xb8;
	[tilespmem:$0x1C8A0] =	vst v63  }
0x110: {  	s19 =	simm.s32 $0xF000  }
0x111: {  	[tilespmem:s19], [sflag:$0x2] =	stream.indirect.gather [hbm4b:s1+s8], $0x80, s13, s8, $0xb8;
	[tilespmem:$0x1C8A0] =	vst v63  }
0x112: {  	_ =	swait.ge [sflag:s0], $0x2800  }
0x113: {  	[sflag:s0] =	ssyncset.done $0x0  }
0x114: {  	[sflag:s0] =	ssyncadd.s32 $0xFFFFD800  }
0x115: {  	_ =	swait.ge [sflag:s0], $0x2800  }
0x116: {  	[sflag:s0] =	ssyncset.done $0x0  }
0x117: {  	[sflag:s0] =	ssyncadd.s32 $0xFFFFD800  }
0x118: {  	_ =	swait.ge [sflag:s0], $0x2800  }
0x119: {  	[sflag:s0] =	ssyncset.done $0x0  }
0x11a: {  	[sflag:s0] =	ssyncadd.s32 $0xFFFFD800  }
0x11b: {  	s15 =	sadd.s32 $0x1, s15;
	_ =	swait.ge [sflag:s0], $0x2800  }
0x11c: {  	p0 =	sne.s32 s15, s24;
	[sflag:s0] =	ssyncset.done $0x0  }
.Ltmp4:
0x11d: {  	[sflag:s0] =	ssyncadd.s32 $0xFFFFD800;
	(pc) =	sbr.rel @p0 .LBB2_1-.Ltmp4, $4  }
0x11e: {  	[hbm4b:s23+s5] =	stream.linear.scatter [tilespmem:s14], [sflag:$0x3], $0xA000, $0x38;
	[tilespmem:$0x1C8A0] =	vst v63  }
0x11f: {  	_ =	swait.ge [sflag:s31], $0xA000  }
0x120: {  	[sflag:s31] =	ssyncset.done $0x0  }
0x121: {  	[sflag:s31] =	ssyncadd.s32 $0xFFFF6000  }
0x122: {  	_ =	sfence.sel $0x180000  }
0x123: {  	[bflag:$0x0] =	sbarrier.arrive $0xFFFF  }
0x124: {  	_ =	strace $0x90000047  }
0x125: {  	s0 =	stileid.u32;
	[bflag:$0x2] =	sbarrier.arrive $0xFFFF  }
0x126: {  	p0 =	sne.s32 s0, $0x0;
	s0 =	rddreg [dreg:$0x4]  }
0x127: {  	s0 =	sadd.s32 @!p0 $0x100000, s0  }
0x128: {  	[sflag:s0] =	ssyncadd.tile.s32 @!p0 $0x1;
	_ =	shalt  }
.Lfunc_end2:
_tile_overlayer_lowered:
.L_overlay_start_2:
0x129: {  	(tag) =	ssettag $0x2  }
0x12a: {  	s0 =	rddreg [dreg:$0x0];
	s2 =	stileid.u32  }
0x12b: {  	s1 =	rddreg [dreg:$0x1];
	p0 =	sne.s32 s2, $0x0  }
0x12c: {  	s3 =	rddreg [dreg:$0x2];
	[bflag:$0x3] =	sbarrier.arrive $0xFFFF;
	s2 =	simm.s32 @!p0 $0x1C03  }
0x12d: {  	[timem:s3], [sflag:s2] =	dma.local @!p0 [hbm:s0], s1  }
0x12e: {  	s0 =	simm.s32 @!p0 $0x3  }
0x12f: {  	_ =	swait.ge @!p0 [sflag:s0], s1  }
0x130: {  	s1 =	ssub.s32 @!p0 $0x0, s1;
	[sflag:s0] =	ssyncset.done @!p0 $0x0  }
0x131: {  	[sflag:s0] =	ssyncadd.s32 @!p0 s1  }
0x132: {  	[bflag:$0x3] =	sbarrier.arrive $0xFFFF  }
0x133: {  	_ =	shalt  }

// kernel: kernel.9.cloned.1.call-start
scs
__scs_entry_jumppad:
0x0: {  	(pc) =	sbr.rel $0x88, $3  }
0x1: {  	(tag) =	ssettag $0x0;
	lr =	simm.s32 $0x1  }
0x2: {  	[smem:$0x3F92] =	sst lr;
	_ =	strace $0xD0000000  }
0x3: {  	_ = 	snop  }
0x4: {  	_ = 	snop  }
0x5: {  	_ = 	snop  }
0x6: {  	_ = 	snop  }
0x7: {  	_ = 	snop  }
__scs_overlays_trampoline_lowered:
0x8: {  	[smem:$0x3FA1] =	sst s0  }
0x9: {  	[smem:$0x3FA2] =	sst s1  }
0xa: {  	[smem:$0x3FA3] =	sst s2  }
0xb: {  	[smem:$0x3FA4] =	sst s3  }
0xc: {  	[smem:$0x3FA5] =	sst s4  }
0xd: {  	[smem:$0x3FA6] =	sst s5  }
0xe: {  	[smem:$0x3FA7] =	sst s6  }
0xf: {  	[smem:$0x3FA8] =	sst s7  }
0x10: {  	[smem:$0x3FA9] =	sst s8  }
0x11: {  	[smem:$0x3FAA] =	sst s9;
	s0 =	simm.s32 @!p0 $0x0  }
0x12: {  	s1 =	sld [smem:$0x3F90];
	s0 =	simm.s32 @p0 $0x1  }
0x13: {  	[smem:$0x3FAB] =	sst s0;
	s0 =	simm.s32 @!p1 $0x0  }
0x14: {  	s2 =	sld [smem:$0x3F8F];
	s0 =	simm.s32 @p1 $0x1  }
0x15: {  	[smem:$0x3FAC] =	sst s0;
	s0 =	simm.s32 @!p2 $0x0  }
0x16: {  	s3 =	sld [smem:$0x3FDB];
	s0 =	simm.s32 @p2 $0x1  }
0x17: {  	s4 =	simm.s32 $0x1BF5;
	[smem:$0x3FAE] =	sst s0  }
0x18: {  	s0 =	sld [smem:$0x3F91];
	_ =	swait.ge [sflag:s4], $0x0  }
0x19: {  	s7 =	sld [smem:$0x3F92]  }
0x1a: {  	s8 =	sadd.s32 $0xFFFFE003, lr  }
0x1b: {  	s9 =	sadd.s32 $0xFFFFFEF7, lr;
	s5 =	simm.s32 $0xFFFFFFFF;
	p2 =	slt.u32 s8, $0xFFFFF086  }
0x1c: {  	p1 =	slt.u32 s9, $0xF7A;
	s5 =	simm.s32 @!p2 $0x0  }
0x1d: {  	s5 =	simm.s32 @p1 $0x1;
	p0 =	seq.s32 s7, s2  }
0x1e: {  	s7 =	smul.u32 @!p0 $0xF7A, s2;
	p2 =	seq.s32 @!p0 s5, $0x0  }
0x1f: {  	s9 =	smul.u32 $0xF7A, s1;
	s8 =	simm.s32 @!p0 $0x1BF5;
	p2 =	por !p2, p0  }
0x20: {  	[sflag:s8] =	ssyncset.s32 @!p0 $0xFFFFF086;
	s6 =	sadd.s32 @!p0 s3, s7;
	s7 =	simm.s32 @!p0 $0x108  }
0x21: {  	s3 =	sadd.s32 s3, s9;
	s6 =	sadd.s32 @!p0 $0x88, s6;
	s7 =	simm.s32 @p2 $0x1082  }
0x22: {  	[simem:s7], [sflag:s8] =	dma.local @!p0 [hbm:s6], $0xF7A  }
0x23: {  	s9 =	sor.u32 $0xD0000000, s2;
	s6 =	simm.s32 $0x108;
	_ =	swait.ge @!p0 [sflag:s8], $0x0  }
0x24: {  	s3 =	sadd.s32 $0x88, s3;
	s6 =	simm.s32 @!p1 $0x1082;
	[sflag:s4] =	ssyncset.s32 $0xFFFFF086  }
0x25: {  	[simem:s6], [sflag:s4] =	dma.local [hbm:s3], $0xF7A  }
0x26: {  	[smem:$0x3F92] =	sst s1;
	(tag) =	ssettag s2;
	_ =	strace s9  }
0x27: {  	s1 =	sld [smem:$0x3FA2]  }
0x28: {  	s2 =	sld [smem:$0x3FA3]  }
0x29: {  	s4 =	sld [smem:$0x3FA5]  }
0x2a: {  	p0 =	seq.s32 s5, $0x0;
	s5 =	sld [smem:$0x3FA6]  }
0x2b: {  	s6 =	sld [smem:$0x3FA7]  }
0x2c: {  	s7 =	sld [smem:$0x3FA8]  }
0x2d: {  	s3 =	simm.s32 $0x108;
	s8 =	sld [smem:$0x3FA9]  }
0x2e: {  	s3 =	simm.s32 @!p0 $0x1082;
	s9 =	sld [smem:$0x3FAA]  }
0x2f: {  	lr =	sadd.s32 s0, s3;
	s0 =	sld [smem:$0x3FA1]  }
0x30: {  	s3 =	sld [smem:$0x3FA4]  }
0x31: {  	[smem:$0x3FAD] =	sst s10  }
0x32: {  	s10 =	sld [smem:$0x3FAB];
	_ =	sdelay $0x3  }
0x33: {  	p0 =	seq.s32 s10, $0x1;
	s10 =	sld [smem:$0x3FAD];
	_ =	sdelay $0x3  }
0x34: {  	[smem:$0x3FAD] =	sst s10  }
0x35: {  	s10 =	sld [smem:$0x3FAC];
	_ =	sdelay $0x3  }
0x36: {  	p1 =	seq.s32 s10, $0x1;
	s10 =	sld [smem:$0x3FAD];
	_ =	sdelay $0x3  }
0x37: {  	[smem:$0x3FAD] =	sst s10  }
0x38: {  	s10 =	sld [smem:$0x3FAE]  }
0x39: {  	_ = 	snop;
	(pc) =	sbr.ind lr, $3  }
0x3a: {  	_ = 	snop  }
0x3b: {  	_ = 	snop  }
0x3c: {  	p2 =	seq.s32 s10, $0x1;
	s10 =	sld [smem:$0x3FAD]  }
0x3d: {  	_ =	shalt  }
0x3e: {  	_ =	shalt  }
0x3f: {  	_ =	shalt  }
0x40: {  	_ =	shalt  }
0x41: {  	_ =	shalt  }
0x42: {  	_ =	shalt  }
0x43: {  	_ =	shalt  }
0x44: {  	_ =	shalt  }
0x45: {  	_ =	shalt  }
0x46: {  	_ =	shalt  }
0x47: {  	_ =	shalt  }
0x48: {  	_ =	shalt  }
0x49: {  	_ =	shalt  }
0x4a: {  	_ =	shalt  }
0x4b: {  	_ =	shalt  }
0x4c: {  	_ =	shalt  }
0x4d: {  	_ =	shalt  }
0x4e: {  	_ =	shalt  }
0x4f: {  	_ =	shalt  }
0x50: {  	_ =	shalt  }
0x51: {  	_ =	shalt  }
0x52: {  	_ =	shalt  }
0x53: {  	_ =	shalt  }
0x54: {  	_ =	shalt  }
0x55: {  	_ =	shalt  }
0x56: {  	_ =	shalt  }
0x57: {  	_ =	shalt  }
0x58: {  	_ =	shalt  }
0x59: {  	_ =	shalt  }
0x5a: {  	_ =	shalt  }
0x5b: {  	_ =	shalt  }
0x5c: {  	_ =	shalt  }
0x5d: {  	_ =	shalt  }
0x5e: {  	_ =	shalt  }
0x5f: {  	_ =	shalt  }
0x60: {  	_ =	shalt  }
0x61: {  	_ =	shalt  }
0x62: {  	_ =	shalt  }
0x63: {  	_ =	shalt  }
0x64: {  	_ =	shalt  }
0x65: {  	_ =	shalt  }
0x66: {  	_ =	shalt  }
0x67: {  	_ =	shalt  }
0x68: {  	_ =	shalt  }
0x69: {  	_ =	shalt  }
0x6a: {  	_ =	shalt  }
0x6b: {  	_ =	shalt  }
0x6c: {  	_ =	shalt  }
0x6d: {  	_ =	shalt  }
0x6e: {  	_ =	shalt  }
0x6f: {  	_ =	shalt  }
0x70: {  	_ =	shalt  }
0x71: {  	_ =	shalt  }
0x72: {  	_ =	shalt  }
0x73: {  	_ =	shalt  }
0x74: {  	_ =	shalt  }
0x75: {  	_ =	shalt  }
0x76: {  	_ =	shalt  }
0x77: {  	_ =	shalt  }
0x78: {  	_ =	shalt  }
0x79: {  	_ =	shalt  }
0x7a: {  	_ =	shalt  }
0x7b: {  	_ =	shalt  }
0x7c: {  	_ =	shalt  }
0x7d: {  	_ =	shalt  }
0x7e: {  	_ =	shalt  }
0x7f: {  	_ =	shalt  }
0x80: {  	_ =	shalt  }
0x81: {  	_ =	shalt  }
0x82: {  	_ =	shalt  }
0x83: {  	_ =	shalt  }
0x84: {  	_ =	shalt  }
0x85: {  	_ =	shalt  }
0x86: {  	_ =	shalt  }
0x87: {  	_ =	shalt  }
.Lfunc_end0:
.L_simem_size_0:
called_computation.1_lowered:
.L_overlay_start_0:
0x88: {  	s2 =	sld [smem:$0x3FD9]  }
0x89: {  	s3 =	sld [smem:$0x3FFE];
	_ =	sdelay $0x1  }
0x8a: {  	s1 =	srdreg.scid  }
0x8b: {  	s0 =	sand.u32 $0x1, s1  }
0x8c: {  	s17 =	sshll.u32 s0, $0xA;
	s2 =	sadd.s32 s3, s2  }
0x8d: {  	s2 =	sadd.s32 s2, s17  }
0x8e: {  	[smem:$0x3FB9] =	sst s2  }
0x8f: {  	_ = 	snop  }
0x90: {  	s2 =	sld [smem:$0x3FD0];
	(tm) =	ssettm $0x1  }
0x91: {  	s18 =	sld [smem:$0x3FFB];
	_ =	sdelay $0x3  }
0x92: {  	_ =	strace s18  }
0x93: {  	s3 =	sld [smem:$0x3FFC];
	_ =	sdelay $0x3  }
0x94: {  	_ =	strace s3  }
0x95: {  	s3 =	sld [smem:$0x3FFD];
	_ =	sdelay $0x3  }
0x96: {  	_ =	strace s3  }
0x97: {  	_ =	strace $0x8FFFFFFF  }
0x98: {  	s19 =	sld [smem:$0x3FDB];
	_ =	sdelay $0x1  }
0x99: {  	s4 =	simm.s32 $_scs_section_size  }
0x9a: {  	s5 =	simm.s32 $_size__tile_overlayer_lowered;
	s6 =	simm.s32 $_tile_overlayer_lowered  }
0x9b: {  	s22 =	simm.s32 $0x1BFF;
	s21 =	sshll.u32 s6, $0x1;
	s3 =	sadd.s32 s4, s19  }
0x9c: {  	s7 =	simm.s32 $0x0;
	s20 =	sshll.u32 s5, $0x1;
	s5 =	sadd.s32 s21, s3  }
0x9d: {  	[timem:s7], [sflag:s22] =	dma.local [hbm:s5], s20  }
0x9e: {  	_ =	swait.ge [sflag:s22], s20  }
0x9f: {  	s4 =	ssub.s32 $0x0, s20;
	[sflag:s22] =	ssyncset.done $0x0  }
0xa0: {  	[sflag:s22] =	ssyncadd.s32 s4;
	_ =	sdelay $0x1  }
0xa1: {  	s23 =	simm.s32 $0x1B8B  }
0xa2: {  	_ =	swait.ge [sflag:s23], $0x1  }
0xa3: {  	[sflag:s23] =	ssyncset.done $0x0  }
0xa4: {  	s25 =	simm.s32 $0x1B8E;
	s24 =	sld [smem:$0x3FFE];
	[sflag:s23] =	ssyncadd.s32 $0xFFFFFFFF  }
0xa5: {  	s26 =	simm.s32 $execute0_lowered;
	[smem:$0x3FD2] =	sst s25  }
0xa6: {  	s5 =	sshll.u32 s26, $0x1;
	_ =	strace $0x80000049;
	[dreg:$0x1] =	wrdreg $0xFFFFFFFF  }
0xa7: {  	s28 =	simm.s32 $_size_execute0_lowered;
	s3 =	sadd.s32 s3, s5;
	[dreg:$0x0] =	wrdreg $0x0  }
0xa8: {  	s5 =	sshll.u32 s28, $0x1;
	[dreg:$0x2] =	wrdreg s3  }
0xa9: {  	[dreg:$0x3] =	wrdreg s5  }
0xaa: {  	[dreg:$0x4] =	wrdreg $0xC0  }
0xab: {  	_ =	task [dreg:s7], $0x5FFFF  }
0xac: {  	[dreg:$0x1] =	wrdreg $0xFFFFFFFF  }
0xad: {  	[dreg:$0x0] =	wrdreg $0x60  }
0xae: {  	[dreg:$0x2] =	wrdreg s24  }
0xaf: {  	[dreg:$0x3] =	wrdreg s2  }
0xb0: {  	[dreg:$0x4] =	wrdreg $0x77800  }
0xb1: {  	[dreg:$0x5] =	wrdreg $0x9  }
0xb2: {  	_ =	task.clear_ibuf [dreg:s7], $0x6FFFF;
	_ =	strace $0x90000049  }
0xb3: {  	s29 =	simm.s32 $0x9;
	_ =	strace $0x8000004B  }
0xb4: {  	_ =	swait.ge [sflag:s29], $0x1  }
0xb5: {  	[sflag:s29] =	ssyncadd.s32 $0xFFFFFFFF  }
0xb6: {  	_ =	strace $0x9000004B  }
0xb7: {  	_ =	sfence  }
0xb8: {  	s30 =	sld [smem:$0x0];
	_ =	sdelay $0x2  }
0xb9: {  	s31 =	sshll.u32 s1, $0xD;
	s1 =	sshrl.u32 s1, $0x2  }
0xba: {  	s3 =	sand.u32 $0x4000, s31;
	s1 =	sadd.s32 s1, s30  }
0xbb: {  	s0 =	sor.u32 s3, s0;
	s1 =	sshll.u32 s1, $0x11  }
0xbc: {  	s0 =	sor.u32 s1, s0  }
0xbd: {  	s0 =	sadd.s32 $0x8F2B, s0  }
0xbe: {  	[sflag:s0] =	ssyncadd.remote.s32 $0x1  }
0xbf: {  	_ =	sfence.sel $0xFFFF  }
0xc0: {  	[dreg:$0x0] =	wrdreg $0xFFFFFFFF;
	(pc) =	sbr.abs _section_cstart, $3  }
0xc1: {  	[dreg:$0x1] =	wrdreg $0xFFFFFFFF  }
0xc2: {  	_ =	task.clear_ibuf [dreg:s7], $0x2FFFF;
	_ =	strace $0x9FFFFFFF  }
0xc3: {  	(tm) =	ssettm $0x7FFFFFFF  }
tec
execute0_lowered:
.L_overlay_start_1:
0x0: {  	(tag) =	ssettag $0x1  }
0x1: {  	s4 =	rddreg [dreg:$0x0]  }
0x2: {  	s8 =	rddreg [dreg:$0x1]  }
0x3: {  	s2 =	rddreg [dreg:$0x2];
	s1 =	stileid.u32  }
0x4: {  	s3 =	srdreg.scid;
	s0 =	rddreg [dreg:$0x3];
	s15 =	simm.s32 $0x50  }
0x5: {  	s16 =	simm.s32 $0x2780;
	s17 =	simm.s32 $0x4F80;
	s18 =	simm.s32 $0x2  }
0x6: {  	s19 =	simm.s32 $0x4;
	s20 =	simm.s32 $0xA0;
	s21 =	simm.s32 $0x3  }
0x7: {  	s22 =	simm.s32 $0x5;
	s23 =	simm.s32 $0x0;
	s7 =	smul.u32 $0x2800, s1  }
0x8: {  	s6 =	sand.u32 $0x1, s3;
	s5 =	sshll.u32 s1, $0x1;
	s12 =	smul.u32 $0x50000, s1  }
0x9: {  	s3 =	simm.s32 $0x0;
	s29 =	smul.u32 $0x4E200, s1;
	s30 =	sshll.u32 s1, $0x6  }
0xa: {  	s5 =	sor.u32 s6, s5;
	[smem:$0x7FF] =	sst s3;
	s14 =	smul.u32 $0x27100, s6  }
0xb: {  	s10 =	ssub.s32 $0x2, s6;
	s6 =	sor.u32 $0x1C06, s30;
	s9 =	smul.u32 $0x2710, s5  }
0xc: {  	_ =	strace $0x8000004A;
	s7 =	sadd.s32 s7, s4;
	s25 =	smul.u32 $0x138800, s5  }
0xd: {  	s11 =	sshrl.u32 s10, $0x1;
	s26 =	sshrl.u32 s12, $0x2;
	s28 =	smul.u32 $0x27100, s5  }
0xe: {  	s31 =	sadd.s32 s29, s8;
	s24 =	ssub.s32 s10, s11;
	s13 =	sadd.s32 s26, s2  }
0xf: {  	s5 =	sadd.s32 $0xCE00, s7;
	s11 =	sadd.s32 s14, s31;
	s14 =	simm.s32 $0x1  }
0x10: {  	s9 =	sshrl.u32 s9, $0x3;
	s10 =	sshrl.u32 s25, $0x3;
	s11 =	sadd.s32 $0xA00, s11  }
0x11: {  	s12 =	sshrl.u32 s13, $0x3;
	s13 =	simm.s32 $0x6;
	s4 =	sadd.s32 s9, s4  }
0x12: {  	s10 =	sadd.s32 s8, s10;
	s8 =	sadd.s32 s8, s28;
	s9 =	smax.u32 s24, $0x1  }
0x13: {  	s4 =	sadd.s32 $0x3000, s4;
	s7 =	sadd.s32 $0x26C00, s10;
	s10 =	sadd.s32 $0x500, s8  }
.LBB2_1:
0x14: {  	[tilespmem:s3], [sflag:$0x1] =	stream.linear.gather [hbm4b:s4+s3], $0x2710, $0x38;
	[tilespmem:$0x1B780] =	vst v63  }
0x15: {  	[spmem:s12], [sflag:s6] =	dma.local [hbm:s5], $0x2800  }
0x16: {  	_ =	swait.ge [sflag:s13], $0x2800  }
0x17: {  	[sflag:s13] =	ssyncset.done $0x0  }
0x18: {  	[sflag:s13] =	ssyncadd.s32 $0xFFFFD800  }
0x19: {  	_ =	swait.ge [sflag:s14], $0x2710  }
0x1a: {  	[sflag:s14] =	ssyncset.done $0x0  }
0x1b: {  	[sflag:s14] =	ssyncadd.s32 $0xFFFFD8F0  }
0x1c: {  	[bflag:$0x0] =	sbarrier.arrive $0xFFFF  }
0x1d: {  	[tilespmem:s16], [sflag:$0x2] =	stream.indirect.gather [spmem:s2], $0x80, s3, s15, $0xb8;
	[tilespmem:$0x1B780] =	vst v63  }
0x1e: {  	_ = 	snop  }
0x1f: {  	[tilespmem:s17], [sflag:$0x3] =	stream.indirect.gather [spmem:s2], $0x80, s15, s15, $0xb8;
	[tilespmem:$0x1B780] =	vst v63  }
0x20: {  	_ =	swait.ge [sflag:s18], $0x2800  }
0x21: {  	[sflag:s18] =	ssyncset.done $0x0  }
0x22: {  	[sflag:s18] =	ssyncadd.s32 $0xFFFFD800  }
0x23: {  	[hbm4b:s8+s3] =	stream.linear.scatter [tilespmem:s16], [sflag:$0x4], $0x2800, $0x38;
	[tilespmem:$0x1B780] =	vst v63  }
0x24: {  	_ =	swait.ge [sflag:s19], $0x2800  }
0x25: {  	[sflag:s19] =	ssyncset.done $0x0  }
0x26: {  	[sflag:s19] =	ssyncadd.s32 $0xFFFFD800  }
0x27: {  	[tilespmem:s16], [sflag:$0x2] =	stream.indirect.gather [spmem:s2], $0x80, s20, s15, $0xb8;
	[tilespmem:$0x1B780] =	vst v63  }
0x28: {  	_ =	swait.ge [sflag:s21], $0x2800  }
0x29: {  	[sflag:s21] =	ssyncset.done $0x0  }
0x2a: {  	[sflag:s21] =	ssyncadd.s32 $0xFFFFD800  }
0x2b: {  	[hbm4b:s10+s3] =	stream.linear.scatter [tilespmem:s17], [sflag:$0x5], $0x2800, $0x38;
	[tilespmem:$0x1B780] =	vst v63  }
0x2c: {  	_ =	swait.ge [sflag:s22], $0x2800  }
0x2d: {  	[sflag:s22] =	ssyncset.done $0x0  }
0x2e: {  	s24 =	simm.s32 $0xF0;
	[sflag:s22] =	ssyncadd.s32 $0xFFFFD800  }
0x2f: {  	[tilespmem:s17], [sflag:$0x3] =	stream.indirect.gather [spmem:s2], $0x80, s24, s15, $0xb8;
	[tilespmem:$0x1B780] =	vst v63  }
0x30: {  	_ =	swait.ge [sflag:s18], $0x2800  }
0x31: {  	[sflag:s18] =	ssyncset.done $0x0  }
0x32: {  	[sflag:s18] =	ssyncadd.s32 $0xFFFFD800  }
0x33: {  	[hbm4b:s11+s3] =	stream.linear.scatter [tilespmem:s16], [sflag:$0x4], $0x2800, $0x38;
	[tilespmem:$0x1B780] =	vst v63  }
0x34: {  	_ =	swait.ge [sflag:s19], $0x2800  }
0x35: {  	[sflag:s19] =	ssyncset.done $0x0  }
0x36: {  	s31 =	simm.s32 $0x140;
	[sflag:s19] =	ssyncadd.s32 $0xFFFFD800  }
0x37: {  	[tilespmem:s16], [sflag:$0x2] =	stream.indirect.gather [spmem:s2], $0x80, s31, s15, $0xb8;
	[tilespmem:$0x1B780] =	vst v63  }
0x38: {  	_ =	swait.ge [sflag:s21], $0x2800  }
0x39: {  	s26 =	sadd.s32 $0x500, s11;
	[sflag:s21] =	ssyncset.done $0x0  }
0x3a: {  	s25 =	sadd.s32 $0xA00, s11;
	s24 =	simm.s32 $0x280;
	[sflag:s21] =	ssyncadd.s32 $0xFFFFD800  }
.LBB2_2:
0x3b: {  	[hbm4b:s26+s3] =	stream.linear.scatter [tilespmem:s17], [sflag:$0x5], $0x2800, $0x38;
	[tilespmem:$0x1B780] =	vst v63  }
0x3c: {  	s26 =	smov.u32 s24  }
0x3d: {  	p0 =	sne.s32 s24, $0x9600;
	s24 =	sadd.s32 $0x280, s24;
	_ =	swait.ge [sflag:s22], $0x2800  }
0x3e: {  	s26 =	sshra.s32 s26, $0x2;
	[sflag:s22] =	ssyncset.done $0x0  }
0x3f: {  	s28 =	sadd.s32 $0xF0, s26;
	[sflag:s22] =	ssyncadd.s32 $0xFFFFD800  }
0x40: {  	[tilespmem:s17], [sflag:$0x3] =	stream.indirect.gather [spmem:s2], $0x80, s28, s15, $0xb8;
	[tilespmem:$0x1B780] =	vst v63  }
0x41: {  	_ =	swait.ge [sflag:s18], $0x2800  }
0x42: {  	[sflag:s18] =	ssyncset.done $0x0  }
0x43: {  	[sflag:s18] =	ssyncadd.s32 $0xFFFFD800  }
0x44: {  	[hbm4b:s25+s3] =	stream.linear.scatter [tilespmem:s16], [sflag:$0x4], $0x2800, $0x38;
	[tilespmem:$0x1B780] =	vst v63  }
0x45: {  	_ =	swait.ge [sflag:s19], $0x2800  }
0x46: {  	[sflag:s19] =	ssyncset.done $0x0  }
.Ltmp0:
0x47: {  	s26 =	sadd.s32 $0x140, s26;
	[sflag:s19] =	ssyncadd.s32 $0xFFFFD800;
	(pc) =	sbr.rel @p0 .LBB2_2-.Ltmp0, $4  }
0x48: {  	[tilespmem:s16], [sflag:$0x2] =	stream.indirect.gather [spmem:s2], $0x80, s26, s15, $0xb8;
	[tilespmem:$0x1B780] =	vst v63  }
0x49: {  	_ =	swait.ge [sflag:s21], $0x2800  }
0x4a: {  	[sflag:s21] =	ssyncset.done $0x0  }
0x4b: {  	s26 =	sadd.s32 $0x500, s25;
	s25 =	sadd.s32 $0xA00, s25;
	[sflag:s21] =	ssyncadd.s32 $0xFFFFD800  }
0x4c: {  	[hbm4b:s26+s3] =	stream.linear.scatter [tilespmem:s17], [sflag:$0x5], $0x2800, $0x38;
	[tilespmem:$0x1B780] =	vst v63  }
0x4d: {  	_ =	swait.ge [sflag:s22], $0x2800  }
0x4e: {  	[sflag:s22] =	ssyncset.done $0x0  }
0x4f: {  	[sflag:s22] =	ssyncadd.s32 $0xFFFFD800  }
0x50: {  	s23 =	sadd.s32 $0x1, s23;
	_ =	swait.ge [sflag:s18], $0x2800  }
0x51: {  	p0 =	sne.s32 s23, s9;
	[sflag:s18] =	ssyncset.done $0x0  }
.Ltmp1:
0x52: {  	[sflag:s18] =	ssyncadd.s32 $0xFFFFD800;
	(pc) =	sbr.rel @p0 .LBB2_1-.Ltmp1, $4  }
0x53: {  	[hbm4b:s7+s3] =	stream.linear.scatter [tilespmem:s16], [sflag:$0x4], $0x2800, $0x38;
	[tilespmem:$0x1B780] =	vst v63  }
0x54: {  	_ =	swait.ge [sflag:s19], $0x2800  }
0x55: {  	[sflag:s19] =	ssyncset.done $0x0  }
0x56: {  	[sflag:s19] =	ssyncadd.s32 $0xFFFFD800  }
0x57: {  	_ =	sfence.sel $0x180000  }
0x58: {  	[bflag:$0x0] =	sbarrier.arrive $0xFFFF  }
0x59: {  	p0 =	sne.s32 s1, $0x0;
	_ =	strace $0x9000004A  }
0x5a: {  	s0 =	sadd.s32 @!p0 $0x100000, s0;
	[bflag:$0x2] =	sbarrier.arrive $0xFFFF  }
0x5b: {  	[sflag:s0] =	ssyncadd.tile.s32 @!p0 $0x1;
	_ =	shalt  }
.Lfunc_end2:
_tile_overlayer_lowered:
.L_overlay_start_2:
0x5c: {  	(tag) =	ssettag $0x2  }
0x5d: {  	s0 =	rddreg [dreg:$0x0];
	s2 =	stileid.u32  }
0x5e: {  	s1 =	rddreg [dreg:$0x1];
	p0 =	sne.s32 s2, $0x0  }
0x5f: {  	s3 =	rddreg [dreg:$0x2];
	[bflag:$0x3] =	sbarrier.arrive $0xFFFF;
	s2 =	simm.s32 @!p0 $0x1C06  }
0x60: {  	[timem:s3], [sflag:s2] =	dma.local @!p0 [hbm:s0], s1  }
0x61: {  	s0 =	simm.s32 @!p0 $0x6  }
0x62: {  	_ =	swait.ge @!p0 [sflag:s0], s1  }
0x63: {  	s1 =	ssub.s32 @!p0 $0x0, s1;
	[sflag:s0] =	ssyncset.done @!p0 $0x0  }
0x64: {  	[sflag:s0] =	ssyncadd.s32 @!p0 s1  }
0x65: {  	[bflag:$0x3] =	sbarrier.arrive $0xFFFF  }
0x66: {  	_ =	shalt  }

</sc_bundles>
